<compile_context>
chip_gen: v7x
topology: tpu7x:2x2x1
jax: 0.10.2.dev20260603
libtpu: 0.0.44.dev20260713+nightly
codegen_flags: <defaults>
</compile_context>

<pallas_src>
import functools

import jax
import jax.numpy as jnp
from jax import lax
from jax.experimental import pallas as pl
from jax.experimental.pallas import tpu as pltpu
from jax.experimental.pallas import tpu_sc as plsc


def _build_sc_scatter(batch_size, n_queries, n_keys, lanes):
    mesh = plsc.VectorSubcoreMesh(core_axis_name="c", subcore_axis_name="s")

    @functools.partial(
        pl.kernel,
        mesh=mesh,
        out_type=(),
        scratch_types=[
            pltpu.VMEM((lanes,), jnp.int32),
            pltpu.VMEM((lanes, lanes), jnp.float32),
            pltpu.SemaphoreType.DMA,
            pltpu.SemaphoreType.DMA,
        ],
    )
    def sc_kernel(idx_hbm, out_hbm, idx_v, chunk_v, isem, csem):
        wid = lax.axis_index("s") * 2 + lax.axis_index("c")
        qq = wid // 2
        b0 = (wid % 2) * lanes
        idx_copy = pltpu.async_copy(idx_hbm.at[qq, pl.ds(b0, lanes)], idx_v, isem)

        lane_iota = lax.iota(jnp.int32, lanes)
        idx_copy.wait()
        iv = jnp.maximum(idx_v[...], 0)
        for j in range(lanes):
            m = iv[j]
            chunk_v[j, pl.ds(0, lanes)] = (
                1 - jnp.minimum(jnp.abs(lane_iota - m % lanes), 1)
            ).astype(jnp.float32)

        copies = [
            pltpu.async_copy(
                chunk_v.at[j],
                out_hbm.at[b0 + j, qq, pl.ds((iv[j] // lanes) * lanes, lanes)],
                csem,
            )
            for j in range(lanes)
        ]
        for cp in copies:
            cp.wait()

    return sc_kernel


def kernel(keys, queries, step, provided_attention):
    batch_size, n_queries, _ = queries.shape
    n_keys = keys.shape[1]
    lanes = 16

    idx_t = provided_attention.T.astype(jnp.int32)
    acc = jax.new_ref(jnp.zeros((batch_size, n_queries, n_keys), jnp.float32))
    _build_sc_scatter(batch_size, n_queries, n_keys, lanes)(idx_t, acc)
    return acc[...]

# --- scband reference (transcript-rebuilt; emitter-appended) ---
"""Pipeline reference for scband-hard-attender-80968723464580 (READ-ONLY COPY).

The authoritative reference and input builder live on the scoring server;
editing this copy changes nothing except your own understanding.
"""

import jax, jax.numpy as jnp
import numpy as np


def setup_inputs(seed: int = 0) -> dict:
    key = jax.random.key(seed)
    k1, k2, k3 = jax.random.split(key, 3)
    keys = jax.random.normal(k1, (32, 2048, 128), dtype=jnp.float32)
    queries = jax.random.normal(k2, (32, 16, 128), dtype=jnp.float32)
    provided_attention = jax.random.randint(k3, (32, 16), 0, 2048, dtype=jnp.int64)
    step = 0
    return {"keys": keys, "queries": queries, "step": step, "provided_attention": provided_attention}


def reference(keys, queries, step, provided_attention):
    batch_size, n_queries, kq_size = queries.shape
    n_keys = keys.shape[1]
    # masked_fill_(provided_attention.eq(-1), 0)
    pa = jnp.where(provided_attention == -1, 0, provided_attention)
    # current_attn: (batch_size, n_queries, 1)
    current_attn = jax.lax.dynamic_slice_in_dim(pa, step, n_queries, axis=1)[..., None]
    # scatter value 1.0 along dim=2 into zeros
    b_idx = jnp.arange(batch_size)[:, None, None]
    q_idx = jnp.arange(n_queries)[None, :, None]
    attn = jnp.zeros((batch_size, n_queries, n_keys), dtype=jnp.float32)
    attn = attn.at[b_idx, q_idx, current_attn].set(1.0)
    return attn

if __name__ == "__main__":
    import jax
    _d = setup_inputs()
    print(jax.jit(kernel)(*tuple(_d.values())))

</pallas_src>

<mosaic_0001>
#map = affine_map<(d0, d1) -> (0, 0)>
#map1 = affine_map<(d0, d1) -> (0, 0, 0)>
module attributes {stable_mosaic.version = 14 : i64} {
  func.func @new_body(%arg0: i32, %arg1: i32, %arg2: memref<16x32xi32, #tpu.memory_space<hbm>>, %arg3: memref<32x16x2048xf32, #tpu.memory_space<hbm>>, %arg4: memref<32x16x2048xf32, #tpu.memory_space<hbm>>, %arg5: memref<16xi32, #tpu.memory_space<vmem>>, %arg6: memref<16x16xf32, #tpu.memory_space<vmem>>, %arg7: memref<!tpu.dma_semaphore, #tpu.memory_space<semaphore_mem>>, %arg8: memref<!tpu.dma_semaphore, #tpu.memory_space<semaphore_mem>>) attributes {dimension_semantics = [#tpu.dimension_semantics<core_parallel>, #tpu.dimension_semantics<subcore_parallel>], iteration_bounds = array<i64: 2, 16>, scalar_prefetch = 0 : i64, scratch_operands = 4 : i64, tpu.core_type = #tpu.core_type<sc_vector_subcore>, window_params = [{transform_indices = #map}, {transform_indices = #map1}, {transform_indices = #map1}]} {
    %mul3A = arith.constant 2 : i32
    %mul3A_0 = arith.muli %arg1, %mul3A : i32
    %add3A = arith.addi %mul3A_0, %arg0 : i32
    %jit3A = arith.constant 2 : i32
    %div3A = arith.divsi %add3A, %jit3A : i32
    %sign3A = arith.constant 0 : i32
    %sign3A_1 = arith.cmpi sgt, %add3A, %sign3A : i32
    %sign3A_2 = arith.extui %sign3A_1 : i1 to i32
    %sign3A_3 = arith.constant 0 : i32
    %sign3A_4 = arith.cmpi slt, %add3A, %sign3A_3 : i32
    %sign3A_5 = arith.extui %sign3A_4 : i1 to i32
    %sign3A_6 = arith.subi %sign3A_2, %sign3A_5 : i32
    %sign3A_7 = arith.constant 0 : i32
    %sign3A_8 = arith.cmpi sgt, %jit3A, %sign3A_7 : i32
    %sign3A_9 = arith.extui %sign3A_8 : i1 to i32
    %sign3A_10 = arith.constant 0 : i32
    %sign3A_11 = arith.cmpi slt, %jit3A, %sign3A_10 : i32
    %sign3A_12 = arith.extui %sign3A_11 : i1 to i32
    %sign3A_13 = arith.subi %sign3A_9, %sign3A_12 : i32
    %ne3A = arith.cmpi ne, %sign3A_6, %sign3A_13 : i32
    %rem3A = arith.remsi %add3A, %jit3A : i32
    %ne3A_14 = arith.constant 0 : i32
    %ne3A_15 = arith.cmpi ne, %rem3A, %ne3A_14 : i32
    %and3A = arith.andi %ne3A, %ne3A_15 : i1
    %sub3A = arith.constant 1 : i32
    %sub3A_16 = arith.subi %div3A, %sub3A : i32
    %select_n3A = arith.select %and3A, %sub3A_16, %div3A : i32
    %jit3A_17 = arith.constant 2 : i32
    %eq3A = arith.constant 0 : i32
    %eq3A_18 = arith.cmpi eq, %jit3A_17, %eq3A : i32
    %jit3A_19 = arith.constant 1 : i32
    %select_n3A_20 = arith.select %eq3A_18, %jit3A_19, %jit3A_17 : i32
    %rem3A_21 = arith.remsi %add3A, %select_n3A_20 : i32
    %ne3A_22 = arith.constant 0 : i32
    %ne3A_23 = arith.cmpi ne, %rem3A_21, %ne3A_22 : i32
    %lt3A = arith.constant 0 : i32
    %lt3A_24 = arith.cmpi slt, %rem3A_21, %lt3A : i32
    %lt3A_25 = arith.constant 0 : i32
    %lt3A_26 = arith.cmpi slt, %select_n3A_20, %lt3A_25 : i32
    %ne3A_27 = arith.xori %lt3A_24, %lt3A_26 : i1
    %and3A_28 = arith.andi %ne3A_27, %ne3A_23 : i1
    %add3A_29 = arith.addi %rem3A_21, %select_n3A_20 : i32
    %select_n3A_30 = arith.select %and3A_28, %add3A_29, %rem3A_21 : i32
    %mul3A_31 = arith.constant 16 : i32
    %mul3A_32 = arith.muli %select_n3A_30, %mul3A_31 : i32
    %dma_start3A = tpu.memref_slice %arg2[%select_n3A, %mul3A_32] : memref<16x32xi32, #tpu.memory_space<hbm>> -> memref<1x16xi32, #tpu.memory_space<hbm>>
    %dma_start3A_33 = tpu.memref_squeeze %dma_start3A : memref<1x16xi32, #tpu.memory_space<hbm>> -> memref<16xi32, #tpu.memory_space<hbm>>
    %dma_start3A_34 = tpu.memref_slice %arg2[%select_n3A, %mul3A_32] : memref<16x32xi32, #tpu.memory_space<hbm>> -> memref<1x16xi32, #tpu.memory_space<hbm>>
    %dma_start3A_35 = tpu.memref_squeeze %dma_start3A_34 : memref<1x16xi32, #tpu.memory_space<hbm>> -> memref<16xi32, #tpu.memory_space<hbm>>
    tpu.enqueue_dma source(%dma_start3A_35 : memref<16xi32, #tpu.memory_space<hbm>>) target(%arg5 : memref<16xi32, #tpu.memory_space<vmem>>) target_semaphore(%arg7 : memref<!tpu.dma_semaphore, #tpu.memory_space<semaphore_mem>>)
    %iota3A = tpu.iota {dimensions = array<i32: 0>} : vector<16xi32>
    %dma_wait3A = tpu.memref_slice %arg2[%select_n3A, %mul3A_32] : memref<16x32xi32, #tpu.memory_space<hbm>> -> memref<1x16xi32, #tpu.memory_space<hbm>>
    %dma_wait3A_36 = tpu.memref_squeeze %dma_wait3A : memref<1x16xi32, #tpu.memory_space<hbm>> -> memref<16xi32, #tpu.memory_space<hbm>>
    %dma_wait3A_37 = tpu.memref_slice %arg2[%select_n3A, %mul3A_32] : memref<16x32xi32, #tpu.memory_space<hbm>> -> memref<1x16xi32, #tpu.memory_space<hbm>>
    %dma_wait3A_38 = tpu.memref_squeeze %dma_wait3A_37 : memref<1x16xi32, #tpu.memory_space<hbm>> -> memref<16xi32, #tpu.memory_space<hbm>>
    tpu.wait_dma2 semaphore(%arg7 : memref<!tpu.dma_semaphore, #tpu.memory_space<semaphore_mem>>) src(%dma_wait3A_38 : memref<16xi32, #tpu.memory_space<hbm>>) dst(%arg5 : memref<16xi32, #tpu.memory_space<vmem>>)
    %get3A = arith.constant 0 : index
    %get3A_39 = tpu.vector_load %arg5[%get3A] {strides = array<i32>} : memref<16xi32, #tpu.memory_space<vmem>>, vector<16xi32>,
    %get3A_40 = vector.shape_cast %get3A_39 : vector<16xi32> to vector<16xi32>
    %max3A = arith.constant 0 : i32
    %max3A_41 = vector.broadcast %max3A : i32 to vector<16xi32>
    %max3A_42 = arith.maxsi %get3A_40, %max3A_41 : vector<16xi32>
    %slice3A = vector.extract_strided_slice %max3A_42 {offsets = [0], sizes = [1], strides = [1]} : vector<16xi32> to vector<1xi32>
    %squeeze3A = vector.extract %slice3A[0] : i32 from vector<1xi32>
    %jit3A_43 = arith.constant 16 : i32
    %eq3A_44 = arith.constant 0 : i32
    %eq3A_45 = arith.cmpi eq, %jit3A_43, %eq3A_44 : i32
    %jit3A_46 = arith.constant 1 : i32
    %select_n3A_47 = arith.select %eq3A_45, %jit3A_46, %jit3A_43 : i32
    %rem3A_48 = arith.remsi %squeeze3A, %select_n3A_47 : i32
    %ne3A_49 = arith.constant 0 : i32
    %ne3A_50 = arith.cmpi ne, %rem3A_48, %ne3A_49 : i32
    %lt3A_51 = arith.constant 0 : i32
    %lt3A_52 = arith.cmpi slt, %rem3A_48, %lt3A_51 : i32
    %lt3A_53 = arith.constant 0 : i32
    %lt3A_54 = arith.cmpi slt, %select_n3A_47, %lt3A_53 : i32
    %ne3A_55 = arith.xori %lt3A_52, %lt3A_54 : i1
    %and3A_56 = arith.andi %ne3A_55, %ne3A_50 : i1
    %add3A_57 = arith.addi %rem3A_48, %select_n3A_47 : i32
    %select_n3A_58 = arith.select %and3A_56, %add3A_57, %rem3A_48 : i32
    %sub3A_59 = vector.broadcast %select_n3A_58 : i32 to vector<16xi32>
    %sub3A_60 = arith.subi %iota3A, %sub3A_59 : vector<16xi32>
    %abs3A = math.absi %sub3A_60 : vector<16xi32>
    %min3A = arith.constant 1 : i32
    %min3A_61 = vector.broadcast %min3A : i32 to vector<16xi32>
    %min3A_62 = arith.minsi %abs3A, %min3A_61 : vector<16xi32>
    %sub3A_63 = arith.constant 1 : i32
    %sub3A_64 = vector.broadcast %sub3A_63 : i32 to vector<16xi32>
    %sub3A_65 = arith.subi %sub3A_64, %min3A_62 : vector<16xi32>
    %convert_element_type3A = arith.sitofp %sub3A_65 : vector<16xi32> to vector<16xf32>
    %swap3A = arith.constant 0 : i32
    %swap3A_66 = arith.index_cast %swap3A : i32 to index
    %swap3A_67 = arith.constant 0 : index
    %swap3A_68 = tpu.vector_load %arg6[%swap3A_66, %swap3A_67] {strides = array<i32>} : memref<16x16xf32, #tpu.memory_space<vmem>>, vector<1x16xf32>,
    %swap3A_69 = vector.shape_cast %swap3A_68 : vector<1x16xf32> to vector<16xf32>
    %swap3A_70 = vector.shape_cast %convert_element_type3A : vector<16xf32> to vector<1x16xf32>
    tpu.vector_store %arg6[%swap3A_66, %swap3A_67], %swap3A_70 {strides = array<i32>} : memref<16x16xf32, #tpu.memory_space<vmem>>, vector<1x16xf32>,
    %slice3A_71 = vector.extract_strided_slice %max3A_42 {offsets = [1], sizes = [1], strides = [1]} : vector<16xi32> to vector<1xi32>
    %squeeze3A_72 = vector.extract %slice3A_71[0] : i32 from vector<1xi32>
    %jit3A_73 = arith.constant 16 : i32
    %eq3A_74 = arith.constant 0 : i32
    %eq3A_75 = arith.cmpi eq, %jit3A_73, %eq3A_74 : i32
    %jit3A_76 = arith.constant 1 : i32
    %select_n3A_77 = arith.select %eq3A_75, %jit3A_76, %jit3A_73 : i32
    %rem3A_78 = arith.remsi %squeeze3A_72, %select_n3A_77 : i32
    %ne3A_79 = arith.constant 0 : i32
    %ne3A_80 = arith.cmpi ne, %rem3A_78, %ne3A_79 : i32
    %lt3A_81 = arith.constant 0 : i32
    %lt3A_82 = arith.cmpi slt, %rem3A_78, %lt3A_81 : i32
    %lt3A_83 = arith.constant 0 : i32
    %lt3A_84 = arith.cmpi slt, %select_n3A_77, %lt3A_83 : i32
    %ne3A_85 = arith.xori %lt3A_82, %lt3A_84 : i1
    %and3A_86 = arith.andi %ne3A_85, %ne3A_80 : i1
    %add3A_87 = arith.addi %rem3A_78, %select_n3A_77 : i32
    %select_n3A_88 = arith.select %and3A_86, %add3A_87, %rem3A_78 : i32
    %sub3A_89 = vector.broadcast %select_n3A_88 : i32 to vector<16xi32>
    %sub3A_90 = arith.subi %iota3A, %sub3A_89 : vector<16xi32>
    %abs3A_91 = math.absi %sub3A_90 : vector<16xi32>
    %min3A_92 = arith.constant 1 : i32
    %min3A_93 = vector.broadcast %min3A_92 : i32 to vector<16xi32>
    %min3A_94 = arith.minsi %abs3A_91, %min3A_93 : vector<16xi32>
    %sub3A_95 = arith.constant 1 : i32
    %sub3A_96 = vector.broadcast %sub3A_95 : i32 to vector<16xi32>
    %sub3A_97 = arith.subi %sub3A_96, %min3A_94 : vector<16xi32>
    %convert_element_type3A_98 = arith.sitofp %sub3A_97 : vector<16xi32> to vector<16xf32>
    %swap3A_99 = arith.constant 1 : i32
    %swap3A_100 = arith.index_cast %swap3A_99 : i32 to index
    %swap3A_101 = arith.constant 0 : index
    %swap3A_102 = tpu.vector_load %arg6[%swap3A_100, %swap3A_101] {strides = array<i32>} : memref<16x16xf32, #tpu.memory_space<vmem>>, vector<1x16xf32>,
    %swap3A_103 = vector.shape_cast %swap3A_102 : vector<1x16xf32> to vector<16xf32>
    %swap3A_104 = vector.shape_cast %convert_element_type3A_98 : vector<16xf32> to vector<1x16xf32>
    tpu.vector_store %arg6[%swap3A_100, %swap3A_101], %swap3A_104 {strides = array<i32>} : memref<16x16xf32, #tpu.memory_space<vmem>>, vector<1x16xf32>,
    %slice3A_105 = vector.extract_strided_slice %max3A_42 {offsets = [2], sizes = [1], strides = [1]} : vector<16xi32> to vector<1xi32>
    %squeeze3A_106 = vector.extract %slice3A_105[0] : i32 from vector<1xi32>
    %jit3A_107 = arith.constant 16 : i32
    %eq3A_108 = arith.constant 0 : i32
    %eq3A_109 = arith.cmpi eq, %jit3A_107, %eq3A_108 : i32
    %jit3A_110 = arith.constant 1 : i32
    %select_n3A_111 = arith.select %eq3A_109, %jit3A_110, %jit3A_107 : i32
    %rem3A_112 = arith.remsi %squeeze3A_106, %select_n3A_111 : i32
    %ne3A_113 = arith.constant 0 : i32
    %ne3A_114 = arith.cmpi ne, %rem3A_112, %ne3A_113 : i32
    %lt3A_115 = arith.constant 0 : i32
    %lt3A_116 = arith.cmpi slt, %rem3A_112, %lt3A_115 : i32
    %lt3A_117 = arith.constant 0 : i32
    %lt3A_118 = arith.cmpi slt, %select_n3A_111, %lt3A_117 : i32
    %ne3A_119 = arith.xori %lt3A_116, %lt3A_118 : i1
    %and3A_120 = arith.andi %ne3A_119, %ne3A_114 : i1
    %add3A_121 = arith.addi %rem3A_112, %select_n3A_111 : i32
    %select_n3A_122 = arith.select %and3A_120, %add3A_121, %rem3A_112 : i32
    %sub3A_123 = vector.broadcast %select_n3A_122 : i32 to vector<16xi32>
    %sub3A_124 = arith.subi %iota3A, %sub3A_123 : vector<16xi32>
    %abs3A_125 = math.absi %sub3A_124 : vector<16xi32>
    %min3A_126 = arith.constant 1 : i32
    %min3A_127 = vector.broadcast %min3A_126 : i32 to vector<16xi32>
    %min3A_128 = arith.minsi %abs3A_125, %min3A_127 : vector<16xi32>
    %sub3A_129 = arith.constant 1 : i32
    %sub3A_130 = vector.broadcast %sub3A_129 : i32 to vector<16xi32>
    %sub3A_131 = arith.subi %sub3A_130, %min3A_128 : vector<16xi32>
    %convert_element_type3A_132 = arith.sitofp %sub3A_131 : vector<16xi32> to vector<16xf32>
    %swap3A_133 = arith.constant 2 : i32
    %swap3A_134 = arith.index_cast %swap3A_133 : i32 to index
    %swap3A_135 = arith.constant 0 : index
    %swap3A_136 = tpu.vector_load %arg6[%swap3A_134, %swap3A_135] {strides = array<i32>} : memref<16x16xf32, #tpu.memory_space<vmem>>, vector<1x16xf32>,
    %swap3A_137 = vector.shape_cast %swap3A_136 : vector<1x16xf32> to vector<16xf32>
    %swap3A_138 = vector.shape_cast %convert_element_type3A_132 : vector<16xf32> to vector<1x16xf32>
    tpu.vector_store %arg6[%swap3A_134, %swap3A_135], %swap3A_138 {strides = array<i32>} : memref<16x16xf32, #tpu.memory_space<vmem>>, vector<1x16xf32>,
    %slice3A_139 = vector.extract_strided_slice %max3A_42 {offsets = [3], sizes = [1], strides = [1]} : vector<16xi32> to vector<1xi32>
    %squeeze3A_140 = vector.extract %slice3A_139[0] : i32 from vector<1xi32>
    %jit3A_141 = arith.constant 16 : i32
    %eq3A_142 = arith.constant 0 : i32
    %eq3A_143 = arith.cmpi eq, %jit3A_141, %eq3A_142 : i32
    %jit3A_144 = arith.constant 1 : i32
    %select_n3A_145 = arith.select %eq3A_143, %jit3A_144, %jit3A_141 : i32
    %rem3A_146 = arith.remsi %squeeze3A_140, %select_n3A_145 : i32
    %ne3A_147 = arith.constant 0 : i32
    %ne3A_148 = arith.cmpi ne, %rem3A_146, %ne3A_147 : i32
    %lt3A_149 = arith.constant 0 : i32
    %lt3A_150 = arith.cmpi slt, %rem3A_146, %lt3A_149 : i32
    %lt3A_151 = arith.constant 0 : i32
    %lt3A_152 = arith.cmpi slt, %select_n3A_145, %lt3A_151 : i32
    %ne3A_153 = arith.xori %lt3A_150, %lt3A_152 : i1
    %and3A_154 = arith.andi %ne3A_153, %ne3A_148 : i1
    %add3A_155 = arith.addi %rem3A_146, %select_n3A_145 : i32
    %select_n3A_156 = arith.select %and3A_154, %add3A_155, %rem3A_146 : i32
    %sub3A_157 = vector.broadcast %select_n3A_156 : i32 to vector<16xi32>
    %sub3A_158 = arith.subi %iota3A, %sub3A_157 : vector<16xi32>
    %abs3A_159 = math.absi %sub3A_158 : vector<16xi32>
    %min3A_160 = arith.constant 1 : i32
    %min3A_161 = vector.broadcast %min3A_160 : i32 to vector<16xi32>
    %min3A_162 = arith.minsi %abs3A_159, %min3A_161 : vector<16xi32>
    %sub3A_163 = arith.constant 1 : i32
    %sub3A_164 = vector.broadcast %sub3A_163 : i32 to vector<16xi32>
    %sub3A_165 = arith.subi %sub3A_164, %min3A_162 : vector<16xi32>
    %convert_element_type3A_166 = arith.sitofp %sub3A_165 : vector<16xi32> to vector<16xf32>
    %swap3A_167 = arith.constant 3 : i32
    %swap3A_168 = arith.index_cast %swap3A_167 : i32 to index
    %swap3A_169 = arith.constant 0 : index
    %swap3A_170 = tpu.vector_load %arg6[%swap3A_168, %swap3A_169] {strides = array<i32>} : memref<16x16xf32, #tpu.memory_space<vmem>>, vector<1x16xf32>,
    %swap3A_171 = vector.shape_cast %swap3A_170 : vector<1x16xf32> to vector<16xf32>
    %swap3A_172 = vector.shape_cast %convert_element_type3A_166 : vector<16xf32> to vector<1x16xf32>
    tpu.vector_store %arg6[%swap3A_168, %swap3A_169], %swap3A_172 {strides = array<i32>} : memref<16x16xf32, #tpu.memory_space<vmem>>, vector<1x16xf32>,
    %slice3A_173 = vector.extract_strided_slice %max3A_42 {offsets = [4], sizes = [1], strides = [1]} : vector<16xi32> to vector<1xi32>
    %squeeze3A_174 = vector.extract %slice3A_173[0] : i32 from vector<1xi32>
    %jit3A_175 = arith.constant 16 : i32
    %eq3A_176 = arith.constant 0 : i32
    %eq3A_177 = arith.cmpi eq, %jit3A_175, %eq3A_176 : i32
    %jit3A_178 = arith.constant 1 : i32
    %select_n3A_179 = arith.select %eq3A_177, %jit3A_178, %jit3A_175 : i32
    %rem3A_180 = arith.remsi %squeeze3A_174, %select_n3A_179 : i32
    %ne3A_181 = arith.constant 0 : i32
    %ne3A_182 = arith.cmpi ne, %rem3A_180, %ne3A_181 : i32
    %lt3A_183 = arith.constant 0 : i32
    %lt3A_184 = arith.cmpi slt, %rem3A_180, %lt3A_183 : i32
    %lt3A_185 = arith.constant 0 : i32
    %lt3A_186 = arith.cmpi slt, %select_n3A_179, %lt3A_185 : i32
    %ne3A_187 = arith.xori %lt3A_184, %lt3A_186 : i1
    %and3A_188 = arith.andi %ne3A_187, %ne3A_182 : i1
    %add3A_189 = arith.addi %rem3A_180, %select_n3A_179 : i32
    %select_n3A_190 = arith.select %and3A_188, %add3A_189, %rem3A_180 : i32
    %sub3A_191 = vector.broadcast %select_n3A_190 : i32 to vector<16xi32>
    %sub3A_192 = arith.subi %iota3A, %sub3A_191 : vector<16xi32>
    %abs3A_193 = math.absi %sub3A_192 : vector<16xi32>
    %min3A_194 = arith.constant 1 : i32
    %min3A_195 = vector.broadcast %min3A_194 : i32 to vector<16xi32>
    %min3A_196 = arith.minsi %abs3A_193, %min3A_195 : vector<16xi32>
    %sub3A_197 = arith.constant 1 : i32
    %sub3A_198 = vector.broadcast %sub3A_197 : i32 to vector<16xi32>
    %sub3A_199 = arith.subi %sub3A_198, %min3A_196 : vector<16xi32>
    %convert_element_type3A_200 = arith.sitofp %sub3A_199 : vector<16xi32> to vector<16xf32>
    %swap3A_201 = arith.constant 4 : i32
    %swap3A_202 = arith.index_cast %swap3A_201 : i32 to index
    %swap3A_203 = arith.constant 0 : index
    %swap3A_204 = tpu.vector_load %arg6[%swap3A_202, %swap3A_203] {strides = array<i32>} : memref<16x16xf32, #tpu.memory_space<vmem>>, vector<1x16xf32>,
    %swap3A_205 = vector.shape_cast %swap3A_204 : vector<1x16xf32> to vector<16xf32>
    %swap3A_206 = vector.shape_cast %convert_element_type3A_200 : vector<16xf32> to vector<1x16xf32>
    tpu.vector_store %arg6[%swap3A_202, %swap3A_203], %swap3A_206 {strides = array<i32>} : memref<16x16xf32, #tpu.memory_space<vmem>>, vector<1x16xf32>,
    %slice3A_207 = vector.extract_strided_slice %max3A_42 {offsets = [5], sizes = [1], strides = [1]} : vector<16xi32> to vector<1xi32>
    %squeeze3A_208 = vector.extract %slice3A_207[0] : i32 from vector<1xi32>
    %jit3A_209 = arith.constant 16 : i32
    %eq3A_210 = arith.constant 0 : i32
    %eq3A_211 = arith.cmpi eq, %jit3A_209, %eq3A_210 : i32
    %jit3A_212 = arith.constant 1 : i32
    %select_n3A_213 = arith.select %eq3A_211, %jit3A_212, %jit3A_209 : i32
    %rem3A_214 = arith.remsi %squeeze3A_208, %select_n3A_213 : i32
    %ne3A_215 = arith.constant 0 : i32
    %ne3A_216 = arith.cmpi ne, %rem3A_214, %ne3A_215 : i32
    %lt3A_217 = arith.constant 0 : i32
    %lt3A_218 = arith.cmpi slt, %rem3A_214, %lt3A_217 : i32
    %lt3A_219 = arith.constant 0 : i32
    %lt3A_220 = arith.cmpi slt, %select_n3A_213, %lt3A_219 : i32
    %ne3A_221 = arith.xori %lt3A_218, %lt3A_220 : i1
    %and3A_222 = arith.andi %ne3A_221, %ne3A_216 : i1
    %add3A_223 = arith.addi %rem3A_214, %select_n3A_213 : i32
    %select_n3A_224 = arith.select %and3A_222, %add3A_223, %rem3A_214 : i32
    %sub3A_225 = vector.broadcast %select_n3A_224 : i32 to vector<16xi32>
    %sub3A_226 = arith.subi %iota3A, %sub3A_225 : vector<16xi32>
    %abs3A_227 = math.absi %sub3A_226 : vector<16xi32>
    %min3A_228 = arith.constant 1 : i32
    %min3A_229 = vector.broadcast %min3A_228 : i32 to vector<16xi32>
    %min3A_230 = arith.minsi %abs3A_227, %min3A_229 : vector<16xi32>
    %sub3A_231 = arith.constant 1 : i32
    %sub3A_232 = vector.broadcast %sub3A_231 : i32 to vector<16xi32>
    %sub3A_233 = arith.subi %sub3A_232, %min3A_230 : vector<16xi32>
    %convert_element_type3A_234 = arith.sitofp %sub3A_233 : vector<16xi32> to vector<16xf32>
    %swap3A_235 = arith.constant 5 : i32
    %swap3A_236 = arith.index_cast %swap3A_235 : i32 to index
    %swap3A_237 = arith.constant 0 : index
    %swap3A_238 = tpu.vector_load %arg6[%swap3A_236, %swap3A_237] {strides = array<i32>} : memref<16x16xf32, #tpu.memory_space<vmem>>, vector<1x16xf32>,
    %swap3A_239 = vector.shape_cast %swap3A_238 : vector<1x16xf32> to vector<16xf32>
    %swap3A_240 = vector.shape_cast %convert_element_type3A_234 : vector<16xf32> to vector<1x16xf32>
    tpu.vector_store %arg6[%swap3A_236, %swap3A_237], %swap3A_240 {strides = array<i32>} : memref<16x16xf32, #tpu.memory_space<vmem>>, vector<1x16xf32>,
    %slice3A_241 = vector.extract_strided_slice %max3A_42 {offsets = [6], sizes = [1], strides = [1]} : vector<16xi32> to vector<1xi32>
    %squeeze3A_242 = vector.extract %slice3A_241[0] : i32 from vector<1xi32>
    %jit3A_243 = arith.constant 16 : i32
    %eq3A_244 = arith.constant 0 : i32
    %eq3A_245 = arith.cmpi eq, %jit3A_243, %eq3A_244 : i32
    %jit3A_246 = arith.constant 1 : i32
    %select_n3A_247 = arith.select %eq3A_245, %jit3A_246, %jit3A_243 : i32
    %rem3A_248 = arith.remsi %squeeze3A_242, %select_n3A_247 : i32
    %ne3A_249 = arith.constant 0 : i32
    %ne3A_250 = arith.cmpi ne, %rem3A_248, %ne3A_249 : i32
    %lt3A_251 = arith.constant 0 : i32
    %lt3A_252 = arith.cmpi slt, %rem3A_248, %lt3A_251 : i32
    %lt3A_253 = arith.constant 0 : i32
    %lt3A_254 = arith.cmpi slt, %select_n3A_247, %lt3A_253 : i32
    %ne3A_255 = arith.xori %lt3A_252, %lt3A_254 : i1
    %and3A_256 = arith.andi %ne3A_255, %ne3A_250 : i1
    %add3A_257 = arith.addi %rem3A_248, %select_n3A_247 : i32
    %select_n3A_258 = arith.select %and3A_256, %add3A_257, %rem3A_248 : i32
    %sub3A_259 = vector.broadcast %select_n3A_258 : i32 to vector<16xi32>
    %sub3A_260 = arith.subi %iota3A, %sub3A_259 : vector<16xi32>
    %abs3A_261 = math.absi %sub3A_260 : vector<16xi32>
    %min3A_262 = arith.constant 1 : i32
    %min3A_263 = vector.broadcast %min3A_262 : i32 to vector<16xi32>
    %min3A_264 = arith.minsi %abs3A_261, %min3A_263 : vector<16xi32>
    %sub3A_265 = arith.constant 1 : i32
    %sub3A_266 = vector.broadcast %sub3A_265 : i32 to vector<16xi32>
    %sub3A_267 = arith.subi %sub3A_266, %min3A_264 : vector<16xi32>
    %convert_element_type3A_268 = arith.sitofp %sub3A_267 : vector<16xi32> to vector<16xf32>
    %swap3A_269 = arith.constant 6 : i32
    %swap3A_270 = arith.index_cast %swap3A_269 : i32 to index
    %swap3A_271 = arith.constant 0 : index
    %swap3A_272 = tpu.vector_load %arg6[%swap3A_270, %swap3A_271] {strides = array<i32>} : memref<16x16xf32, #tpu.memory_space<vmem>>, vector<1x16xf32>,
    %swap3A_273 = vector.shape_cast %swap3A_272 : vector<1x16xf32> to vector<16xf32>
    %swap3A_274 = vector.shape_cast %convert_element_type3A_268 : vector<16xf32> to vector<1x16xf32>
    tpu.vector_store %arg6[%swap3A_270, %swap3A_271], %swap3A_274 {strides = array<i32>} : memref<16x16xf32, #tpu.memory_space<vmem>>, vector<1x16xf32>,
    %slice3A_275 = vector.extract_strided_slice %max3A_42 {offsets = [7], sizes = [1], strides = [1]} : vector<16xi32> to vector<1xi32>
    %squeeze3A_276 = vector.extract %slice3A_275[0] : i32 from vector<1xi32>
    %jit3A_277 = arith.constant 16 : i32
    %eq3A_278 = arith.constant 0 : i32
    %eq3A_279 = arith.cmpi eq, %jit3A_277, %eq3A_278 : i32
    %jit3A_280 = arith.constant 1 : i32
    %select_n3A_281 = arith.select %eq3A_279, %jit3A_280, %jit3A_277 : i32
    %rem3A_282 = arith.remsi %squeeze3A_276, %select_n3A_281 : i32
    %ne3A_283 = arith.constant 0 : i32
    %ne3A_284 = arith.cmpi ne, %rem3A_282, %ne3A_283 : i32
    %lt3A_285 = arith.constant 0 : i32
    %lt3A_286 = arith.cmpi slt, %rem3A_282, %lt3A_285 : i32
    %lt3A_287 = arith.constant 0 : i32
    %lt3A_288 = arith.cmpi slt, %select_n3A_281, %lt3A_287 : i32
    %ne3A_289 = arith.xori %lt3A_286, %lt3A_288 : i1
    %and3A_290 = arith.andi %ne3A_289, %ne3A_284 : i1
    %add3A_291 = arith.addi %rem3A_282, %select_n3A_281 : i32
    %select_n3A_292 = arith.select %and3A_290, %add3A_291, %rem3A_282 : i32
    %sub3A_293 = vector.broadcast %select_n3A_292 : i32 to vector<16xi32>
    %sub3A_294 = arith.subi %iota3A, %sub3A_293 : vector<16xi32>
    %abs3A_295 = math.absi %sub3A_294 : vector<16xi32>
    %min3A_296 = arith.constant 1 : i32
    %min3A_297 = vector.broadcast %min3A_296 : i32 to vector<16xi32>
    %min3A_298 = arith.minsi %abs3A_295, %min3A_297 : vector<16xi32>
    %sub3A_299 = arith.constant 1 : i32
    %sub3A_300 = vector.broadcast %sub3A_299 : i32 to vector<16xi32>
    %sub3A_301 = arith.subi %sub3A_300, %min3A_298 : vector<16xi32>
    %convert_element_type3A_302 = arith.sitofp %sub3A_301 : vector<16xi32> to vector<16xf32>
    %swap3A_303 = arith.constant 7 : i32
    %swap3A_304 = arith.index_cast %swap3A_303 : i32 to index
    %swap3A_305 = arith.constant 0 : index
    %swap3A_306 = tpu.vector_load %arg6[%swap3A_304, %swap3A_305] {strides = array<i32>} : memref<16x16xf32, #tpu.memory_space<vmem>>, vector<1x16xf32>,
    %swap3A_307 = vector.shape_cast %swap3A_306 : vector<1x16xf32> to vector<16xf32>
    %swap3A_308 = vector.shape_cast %convert_element_type3A_302 : vector<16xf32> to vector<1x16xf32>
    tpu.vector_store %arg6[%swap3A_304, %swap3A_305], %swap3A_308 {strides = array<i32>} : memref<16x16xf32, #tpu.memory_space<vmem>>, vector<1x16xf32>,
    %slice3A_309 = vector.extract_strided_slice %max3A_42 {offsets = [8], sizes = [1], strides = [1]} : vector<16xi32> to vector<1xi32>
    %squeeze3A_310 = vector.extract %slice3A_309[0] : i32 from vector<1xi32>
    %jit3A_311 = arith.constant 16 : i32
    %eq3A_312 = arith.constant 0 : i32
    %eq3A_313 = arith.cmpi eq, %jit3A_311, %eq3A_312 : i32
    %jit3A_314 = arith.constant 1 : i32
    %select_n3A_315 = arith.select %eq3A_313, %jit3A_314, %jit3A_311 : i32
    %rem3A_316 = arith.remsi %squeeze3A_310, %select_n3A_315 : i32
    %ne3A_317 = arith.constant 0 : i32
    %ne3A_318 = arith.cmpi ne, %rem3A_316, %ne3A_317 : i32
    %lt3A_319 = arith.constant 0 : i32
    %lt3A_320 = arith.cmpi slt, %rem3A_316, %lt3A_319 : i32
    %lt3A_321 = arith.constant 0 : i32
    %lt3A_322 = arith.cmpi slt, %select_n3A_315, %lt3A_321 : i32
    %ne3A_323 = arith.xori %lt3A_320, %lt3A_322 : i1
    %and3A_324 = arith.andi %ne3A_323, %ne3A_318 : i1
    %add3A_325 = arith.addi %rem3A_316, %select_n3A_315 : i32
    %select_n3A_326 = arith.select %and3A_324, %add3A_325, %rem3A_316 : i32
    %sub3A_327 = vector.broadcast %select_n3A_326 : i32 to vector<16xi32>
    %sub3A_328 = arith.subi %iota3A, %sub3A_327 : vector<16xi32>
    %abs3A_329 = math.absi %sub3A_328 : vector<16xi32>
    %min3A_330 = arith.constant 1 : i32
    %min3A_331 = vector.broadcast %min3A_330 : i32 to vector<16xi32>
    %min3A_332 = arith.minsi %abs3A_329, %min3A_331 : vector<16xi32>
    %sub3A_333 = arith.constant 1 : i32
    %sub3A_334 = vector.broadcast %sub3A_333 : i32 to vector<16xi32>
    %sub3A_335 = arith.subi %sub3A_334, %min3A_332 : vector<16xi32>
    %convert_element_type3A_336 = arith.sitofp %sub3A_335 : vector<16xi32> to vector<16xf32>
    %swap3A_337 = arith.constant 8 : i32
    %swap3A_338 = arith.index_cast %swap3A_337 : i32 to index
    %swap3A_339 = arith.constant 0 : index
    %swap3A_340 = tpu.vector_load %arg6[%swap3A_338, %swap3A_339] {strides = array<i32>} : memref<16x16xf32, #tpu.memory_space<vmem>>, vector<1x16xf32>,
    %swap3A_341 = vector.shape_cast %swap3A_340 : vector<1x16xf32> to vector<16xf32>
    %swap3A_342 = vector.shape_cast %convert_element_type3A_336 : vector<16xf32> to vector<1x16xf32>
    tpu.vector_store %arg6[%swap3A_338, %swap3A_339], %swap3A_342 {strides = array<i32>} : memref<16x16xf32, #tpu.memory_space<vmem>>, vector<1x16xf32>,
    %slice3A_343 = vector.extract_strided_slice %max3A_42 {offsets = [9], sizes = [1], strides = [1]} : vector<16xi32> to vector<1xi32>
    %squeeze3A_344 = vector.extract %slice3A_343[0] : i32 from vector<1xi32>
    %jit3A_345 = arith.constant 16 : i32
    %eq3A_346 = arith.constant 0 : i32
    %eq3A_347 = arith.cmpi eq, %jit3A_345, %eq3A_346 : i32
    %jit3A_348 = arith.constant 1 : i32
    %select_n3A_349 = arith.select %eq3A_347, %jit3A_348, %jit3A_345 : i32
    %rem3A_350 = arith.remsi %squeeze3A_344, %select_n3A_349 : i32
    %ne3A_351 = arith.constant 0 : i32
    %ne3A_352 = arith.cmpi ne, %rem3A_350, %ne3A_351 : i32
    %lt3A_353 = arith.constant 0 : i32
    %lt3A_354 = arith.cmpi slt, %rem3A_350, %lt3A_353 : i32
    %lt3A_355 = arith.constant 0 : i32
    %lt3A_356 = arith.cmpi slt, %select_n3A_349, %lt3A_355 : i32
    %ne3A_357 = arith.xori %lt3A_354, %lt3A_356 : i1
    %and3A_358 = arith.andi %ne3A_357, %ne3A_352 : i1
    %add3A_359 = arith.addi %rem3A_350, %select_n3A_349 : i32
    %select_n3A_360 = arith.select %and3A_358, %add3A_359, %rem3A_350 : i32
    %sub3A_361 = vector.broadcast %select_n3A_360 : i32 to vector<16xi32>
    %sub3A_362 = arith.subi %iota3A, %sub3A_361 : vector<16xi32>
    %abs3A_363 = math.absi %sub3A_362 : vector<16xi32>
    %min3A_364 = arith.constant 1 : i32
    %min3A_365 = vector.broadcast %min3A_364 : i32 to vector<16xi32>
    %min3A_366 = arith.minsi %abs3A_363, %min3A_365 : vector<16xi32>
    %sub3A_367 = arith.constant 1 : i32
    %sub3A_368 = vector.broadcast %sub3A_367 : i32 to vector<16xi32>
    %sub3A_369 = arith.subi %sub3A_368, %min3A_366 : vector<16xi32>
    %convert_element_type3A_370 = arith.sitofp %sub3A_369 : vector<16xi32> to vector<16xf32>
    %swap3A_371 = arith.constant 9 : i32
    %swap3A_372 = arith.index_cast %swap3A_371 : i32 to index
    %swap3A_373 = arith.constant 0 : index
    %swap3A_374 = tpu.vector_load %arg6[%swap3A_372, %swap3A_373] {strides = array<i32>} : memref<16x16xf32, #tpu.memory_space<vmem>>, vector<1x16xf32>,
    %swap3A_375 = vector.shape_cast %swap3A_374 : vector<1x16xf32> to vector<16xf32>
    %swap3A_376 = vector.shape_cast %convert_element_type3A_370 : vector<16xf32> to vector<1x16xf32>
    tpu.vector_store %arg6[%swap3A_372, %swap3A_373], %swap3A_376 {strides = array<i32>} : memref<16x16xf32, #tpu.memory_space<vmem>>, vector<1x16xf32>,
    %slice3A_377 = vector.extract_strided_slice %max3A_42 {offsets = [10], sizes = [1], strides = [1]} : vector<16xi32> to vector<1xi32>
    %squeeze3A_378 = vector.extract %slice3A_377[0] : i32 from vector<1xi32>
    %jit3A_379 = arith.constant 16 : i32
    %eq3A_380 = arith.constant 0 : i32
    %eq3A_381 = arith.cmpi eq, %jit3A_379, %eq3A_380 : i32
    %jit3A_382 = arith.constant 1 : i32
    %select_n3A_383 = arith.select %eq3A_381, %jit3A_382, %jit3A_379 : i32
    %rem3A_384 = arith.remsi %squeeze3A_378, %select_n3A_383 : i32
    %ne3A_385 = arith.constant 0 : i32
    %ne3A_386 = arith.cmpi ne, %rem3A_384, %ne3A_385 : i32
    %lt3A_387 = arith.constant 0 : i32
    %lt3A_388 = arith.cmpi slt, %rem3A_384, %lt3A_387 : i32
    %lt3A_389 = arith.constant 0 : i32
    %lt3A_390 = arith.cmpi slt, %select_n3A_383, %lt3A_389 : i32
    %ne3A_391 = arith.xori %lt3A_388, %lt3A_390 : i1
    %and3A_392 = arith.andi %ne3A_391, %ne3A_386 : i1
    %add3A_393 = arith.addi %rem3A_384, %select_n3A_383 : i32
    %select_n3A_394 = arith.select %and3A_392, %add3A_393, %rem3A_384 : i32
    %sub3A_395 = vector.broadcast %select_n3A_394 : i32 to vector<16xi32>
    %sub3A_396 = arith.subi %iota3A, %sub3A_395 : vector<16xi32>
    %abs3A_397 = math.absi %sub3A_396 : vector<16xi32>
    %min3A_398 = arith.constant 1 : i32
    %min3A_399 = vector.broadcast %min3A_398 : i32 to vector<16xi32>
    %min3A_400 = arith.minsi %abs3A_397, %min3A_399 : vector<16xi32>
    %sub3A_401 = arith.constant 1 : i32
    %sub3A_402 = vector.broadcast %sub3A_401 : i32 to vector<16xi32>
    %sub3A_403 = arith.subi %sub3A_402, %min3A_400 : vector<16xi32>
    %convert_element_type3A_404 = arith.sitofp %sub3A_403 : vector<16xi32> to vector<16xf32>
    %swap3A_405 = arith.constant 10 : i32
    %swap3A_406 = arith.index_cast %swap3A_405 : i32 to index
    %swap3A_407 = arith.constant 0 : index
    %swap3A_408 = tpu.vector_load %arg6[%swap3A_406, %swap3A_407] {strides = array<i32>} : memref<16x16xf32, #tpu.memory_space<vmem>>, vector<1x16xf32>,
    %swap3A_409 = vector.shape_cast %swap3A_408 : vector<1x16xf32> to vector<16xf32>
    %swap3A_410 = vector.shape_cast %convert_element_type3A_404 : vector<16xf32> to vector<1x16xf32>
    tpu.vector_store %arg6[%swap3A_406, %swap3A_407], %swap3A_410 {strides = array<i32>} : memref<16x16xf32, #tpu.memory_space<vmem>>, vector<1x16xf32>,
    %slice3A_411 = vector.extract_strided_slice %max3A_42 {offsets = [11], sizes = [1], strides = [1]} : vector<16xi32> to vector<1xi32>
    %squeeze3A_412 = vector.extract %slice3A_411[0] : i32 from vector<1xi32>
    %jit3A_413 = arith.constant 16 : i32
    %eq3A_414 = arith.constant 0 : i32
    %eq3A_415 = arith.cmpi eq, %jit3A_413, %eq3A_414 : i32
    %jit3A_416 = arith.constant 1 : i32
    %select_n3A_417 = arith.select %eq3A_415, %jit3A_416, %jit3A_413 : i32
    %rem3A_418 = arith.remsi %squeeze3A_412, %select_n3A_417 : i32
    %ne3A_419 = arith.constant 0 : i32
    %ne3A_420 = arith.cmpi ne, %rem3A_418, %ne3A_419 : i32
    %lt3A_421 = arith.constant 0 : i32
    %lt3A_422 = arith.cmpi slt, %rem3A_418, %lt3A_421 : i32
    %lt3A_423 = arith.constant 0 : i32
    %lt3A_424 = arith.cmpi slt, %select_n3A_417, %lt3A_423 : i32
    %ne3A_425 = arith.xori %lt3A_422, %lt3A_424 : i1
    %and3A_426 = arith.andi %ne3A_425, %ne3A_420 : i1
    %add3A_427 = arith.addi %rem3A_418, %select_n3A_417 : i32
    %select_n3A_428 = arith.select %and3A_426, %add3A_427, %rem3A_418 : i32
    %sub3A_429 = vector.broadcast %select_n3A_428 : i32 to vector<16xi32>
    %sub3A_430 = arith.subi %iota3A, %sub3A_429 : vector<16xi32>
    %abs3A_431 = math.absi %sub3A_430 : vector<16xi32>
    %min3A_432 = arith.constant 1 : i32
    %min3A_433 = vector.broadcast %min3A_432 : i32 to vector<16xi32>
    %min3A_434 = arith.minsi %abs3A_431, %min3A_433 : vector<16xi32>
    %sub3A_435 = arith.constant 1 : i32
    %sub3A_436 = vector.broadcast %sub3A_435 : i32 to vector<16xi32>
    %sub3A_437 = arith.subi %sub3A_436, %min3A_434 : vector<16xi32>
    %convert_element_type3A_438 = arith.sitofp %sub3A_437 : vector<16xi32> to vector<16xf32>
    %swap3A_439 = arith.constant 11 : i32
    %swap3A_440 = arith.index_cast %swap3A_439 : i32 to index
    %swap3A_441 = arith.constant 0 : index
    %swap3A_442 = tpu.vector_load %arg6[%swap3A_440, %swap3A_441] {strides = array<i32>} : memref<16x16xf32, #tpu.memory_space<vmem>>, vector<1x16xf32>,
    %swap3A_443 = vector.shape_cast %swap3A_442 : vector<1x16xf32> to vector<16xf32>
    %swap3A_444 = vector.shape_cast %convert_element_type3A_438 : vector<16xf32> to vector<1x16xf32>
    tpu.vector_store %arg6[%swap3A_440, %swap3A_441], %swap3A_444 {strides = array<i32>} : memref<16x16xf32, #tpu.memory_space<vmem>>, vector<1x16xf32>,
    %slice3A_445 = vector.extract_strided_slice %max3A_42 {offsets = [12], sizes = [1], strides = [1]} : vector<16xi32> to vector<1xi32>
    %squeeze3A_446 = vector.extract %slice3A_445[0] : i32 from vector<1xi32>
    %jit3A_447 = arith.constant 16 : i32
    %eq3A_448 = arith.constant 0 : i32
    %eq3A_449 = arith.cmpi eq, %jit3A_447, %eq3A_448 : i32
    %jit3A_450 = arith.constant 1 : i32
    %select_n3A_451 = arith.select %eq3A_449, %jit3A_450, %jit3A_447 : i32
    %rem3A_452 = arith.remsi %squeeze3A_446, %select_n3A_451 : i32
    %ne3A_453 = arith.constant 0 : i32
    %ne3A_454 = arith.cmpi ne, %rem3A_452, %ne3A_453 : i32
    %lt3A_455 = arith.constant 0 : i32
    %lt3A_456 = arith.cmpi slt, %rem3A_452, %lt3A_455 : i32
    %lt3A_457 = arith.constant 0 : i32
    %lt3A_458 = arith.cmpi slt, %select_n3A_451, %lt3A_457 : i32
    %ne3A_459 = arith.xori %lt3A_456, %lt3A_458 : i1
    %and3A_460 = arith.andi %ne3A_459, %ne3A_454 : i1
    %add3A_461 = arith.addi %rem3A_452, %select_n3A_451 : i32
    %select_n3A_462 = arith.select %and3A_460, %add3A_461, %rem3A_452 : i32
    %sub3A_463 = vector.broadcast %select_n3A_462 : i32 to vector<16xi32>
    %sub3A_464 = arith.subi %iota3A, %sub3A_463 : vector<16xi32>
    %abs3A_465 = math.absi %sub3A_464 : vector<16xi32>
    %min3A_466 = arith.constant 1 : i32
    %min3A_467 = vector.broadcast %min3A_466 : i32 to vector<16xi32>
    %min3A_468 = arith.minsi %abs3A_465, %min3A_467 : vector<16xi32>
    %sub3A_469 = arith.constant 1 : i32
    %sub3A_470 = vector.broadcast %sub3A_469 : i32 to vector<16xi32>
    %sub3A_471 = arith.subi %sub3A_470, %min3A_468 : vector<16xi32>
    %convert_element_type3A_472 = arith.sitofp %sub3A_471 : vector<16xi32> to vector<16xf32>
    %swap3A_473 = arith.constant 12 : i32
    %swap3A_474 = arith.index_cast %swap3A_473 : i32 to index
    %swap3A_475 = arith.constant 0 : index
    %swap3A_476 = tpu.vector_load %arg6[%swap3A_474, %swap3A_475] {strides = array<i32>} : memref<16x16xf32, #tpu.memory_space<vmem>>, vector<1x16xf32>,
    %swap3A_477 = vector.shape_cast %swap3A_476 : vector<1x16xf32> to vector<16xf32>
    %swap3A_478 = vector.shape_cast %convert_element_type3A_472 : vector<16xf32> to vector<1x16xf32>
    tpu.vector_store %arg6[%swap3A_474, %swap3A_475], %swap3A_478 {strides = array<i32>} : memref<16x16xf32, #tpu.memory_space<vmem>>, vector<1x16xf32>,
    %slice3A_479 = vector.extract_strided_slice %max3A_42 {offsets = [13], sizes = [1], strides = [1]} : vector<16xi32> to vector<1xi32>
    %squeeze3A_480 = vector.extract %slice3A_479[0] : i32 from vector<1xi32>
    %jit3A_481 = arith.constant 16 : i32
    %eq3A_482 = arith.constant 0 : i32
    %eq3A_483 = arith.cmpi eq, %jit3A_481, %eq3A_482 : i32
    %jit3A_484 = arith.constant 1 : i32
    %select_n3A_485 = arith.select %eq3A_483, %jit3A_484, %jit3A_481 : i32
    %rem3A_486 = arith.remsi %squeeze3A_480, %select_n3A_485 : i32
    %ne3A_487 = arith.constant 0 : i32
    %ne3A_488 = arith.cmpi ne, %rem3A_486, %ne3A_487 : i32
    %lt3A_489 = arith.constant 0 : i32
    %lt3A_490 = arith.cmpi slt, %rem3A_486, %lt3A_489 : i32
    %lt3A_491 = arith.constant 0 : i32
    %lt3A_492 = arith.cmpi slt, %select_n3A_485, %lt3A_491 : i32
    %ne3A_493 = arith.xori %lt3A_490, %lt3A_492 : i1
    %and3A_494 = arith.andi %ne3A_493, %ne3A_488 : i1
    %add3A_495 = arith.addi %rem3A_486, %select_n3A_485 : i32
    %select_n3A_496 = arith.select %and3A_494, %add3A_495, %rem3A_486 : i32
    %sub3A_497 = vector.broadcast %select_n3A_496 : i32 to vector<16xi32>
    %sub3A_498 = arith.subi %iota3A, %sub3A_497 : vector<16xi32>
    %abs3A_499 = math.absi %sub3A_498 : vector<16xi32>
    %min3A_500 = arith.constant 1 : i32
    %min3A_501 = vector.broadcast %min3A_500 : i32 to vector<16xi32>
    %min3A_502 = arith.minsi %abs3A_499, %min3A_501 : vector<16xi32>
    %sub3A_503 = arith.constant 1 : i32
    %sub3A_504 = vector.broadcast %sub3A_503 : i32 to vector<16xi32>
    %sub3A_505 = arith.subi %sub3A_504, %min3A_502 : vector<16xi32>
    %convert_element_type3A_506 = arith.sitofp %sub3A_505 : vector<16xi32> to vector<16xf32>
    %swap3A_507 = arith.constant 13 : i32
    %swap3A_508 = arith.index_cast %swap3A_507 : i32 to index
    %swap3A_509 = arith.constant 0 : index
    %swap3A_510 = tpu.vector_load %arg6[%swap3A_508, %swap3A_509] {strides = array<i32>} : memref<16x16xf32, #tpu.memory_space<vmem>>, vector<1x16xf32>,
    %swap3A_511 = vector.shape_cast %swap3A_510 : vector<1x16xf32> to vector<16xf32>
    %swap3A_512 = vector.shape_cast %convert_element_type3A_506 : vector<16xf32> to vector<1x16xf32>
    tpu.vector_store %arg6[%swap3A_508, %swap3A_509], %swap3A_512 {strides = array<i32>} : memref<16x16xf32, #tpu.memory_space<vmem>>, vector<1x16xf32>,
    %slice3A_513 = vector.extract_strided_slice %max3A_42 {offsets = [14], sizes = [1], strides = [1]} : vector<16xi32> to vector<1xi32>
    %squeeze3A_514 = vector.extract %slice3A_513[0] : i32 from vector<1xi32>
    %jit3A_515 = arith.constant 16 : i32
    %eq3A_516 = arith.constant 0 : i32
    %eq3A_517 = arith.cmpi eq, %jit3A_515, %eq3A_516 : i32
    %jit3A_518 = arith.constant 1 : i32
    %select_n3A_519 = arith.select %eq3A_517, %jit3A_518, %jit3A_515 : i32
    %rem3A_520 = arith.remsi %squeeze3A_514, %select_n3A_519 : i32
    %ne3A_521 = arith.constant 0 : i32
    %ne3A_522 = arith.cmpi ne, %rem3A_520, %ne3A_521 : i32
    %lt3A_523 = arith.constant 0 : i32
    %lt3A_524 = arith.cmpi slt, %rem3A_520, %lt3A_523 : i32
    %lt3A_525 = arith.constant 0 : i32
    %lt3A_526 = arith.cmpi slt, %select_n3A_519, %lt3A_525 : i32
    %ne3A_527 = arith.xori %lt3A_524, %lt3A_526 : i1
    %and3A_528 = arith.andi %ne3A_527, %ne3A_522 : i1
    %add3A_529 = arith.addi %rem3A_520, %select_n3A_519 : i32
    %select_n3A_530 = arith.select %and3A_528, %add3A_529, %rem3A_520 : i32
    %sub3A_531 = vector.broadcast %select_n3A_530 : i32 to vector<16xi32>
    %sub3A_532 = arith.subi %iota3A, %sub3A_531 : vector<16xi32>
    %abs3A_533 = math.absi %sub3A_532 : vector<16xi32>
    %min3A_534 = arith.constant 1 : i32
    %min3A_535 = vector.broadcast %min3A_534 : i32 to vector<16xi32>
    %min3A_536 = arith.minsi %abs3A_533, %min3A_535 : vector<16xi32>
    %sub3A_537 = arith.constant 1 : i32
    %sub3A_538 = vector.broadcast %sub3A_537 : i32 to vector<16xi32>
    %sub3A_539 = arith.subi %sub3A_538, %min3A_536 : vector<16xi32>
    %convert_element_type3A_540 = arith.sitofp %sub3A_539 : vector<16xi32> to vector<16xf32>
    %swap3A_541 = arith.constant 14 : i32
    %swap3A_542 = arith.index_cast %swap3A_541 : i32 to index
    %swap3A_543 = arith.constant 0 : index
    %swap3A_544 = tpu.vector_load %arg6[%swap3A_542, %swap3A_543] {strides = array<i32>} : memref<16x16xf32, #tpu.memory_space<vmem>>, vector<1x16xf32>,
    %swap3A_545 = vector.shape_cast %swap3A_544 : vector<1x16xf32> to vector<16xf32>
    %swap3A_546 = vector.shape_cast %convert_element_type3A_540 : vector<16xf32> to vector<1x16xf32>
    tpu.vector_store %arg6[%swap3A_542, %swap3A_543], %swap3A_546 {strides = array<i32>} : memref<16x16xf32, #tpu.memory_space<vmem>>, vector<1x16xf32>,
    %slice3A_547 = vector.extract_strided_slice %max3A_42 {offsets = [15], sizes = [1], strides = [1]} : vector<16xi32> to vector<1xi32>
    %squeeze3A_548 = vector.extract %slice3A_547[0] : i32 from vector<1xi32>
    %jit3A_549 = arith.constant 16 : i32
    %eq3A_550 = arith.constant 0 : i32
    %eq3A_551 = arith.cmpi eq, %jit3A_549, %eq3A_550 : i32
    %jit3A_552 = arith.constant 1 : i32
    %select_n3A_553 = arith.select %eq3A_551, %jit3A_552, %jit3A_549 : i32
    %rem3A_554 = arith.remsi %squeeze3A_548, %select_n3A_553 : i32
    %ne3A_555 = arith.constant 0 : i32
    %ne3A_556 = arith.cmpi ne, %rem3A_554, %ne3A_555 : i32
    %lt3A_557 = arith.constant 0 : i32
    %lt3A_558 = arith.cmpi slt, %rem3A_554, %lt3A_557 : i32
    %lt3A_559 = arith.constant 0 : i32
    %lt3A_560 = arith.cmpi slt, %select_n3A_553, %lt3A_559 : i32
    %ne3A_561 = arith.xori %lt3A_558, %lt3A_560 : i1
    %and3A_562 = arith.andi %ne3A_561, %ne3A_556 : i1
    %add3A_563 = arith.addi %rem3A_554, %select_n3A_553 : i32
    %select_n3A_564 = arith.select %and3A_562, %add3A_563, %rem3A_554 : i32
    %sub3A_565 = vector.broadcast %select_n3A_564 : i32 to vector<16xi32>
    %sub3A_566 = arith.subi %iota3A, %sub3A_565 : vector<16xi32>
    %abs3A_567 = math.absi %sub3A_566 : vector<16xi32>
    %min3A_568 = arith.constant 1 : i32
    %min3A_569 = vector.broadcast %min3A_568 : i32 to vector<16xi32>
    %min3A_570 = arith.minsi %abs3A_567, %min3A_569 : vector<16xi32>
    %sub3A_571 = arith.constant 1 : i32
    %sub3A_572 = vector.broadcast %sub3A_571 : i32 to vector<16xi32>
    %sub3A_573 = arith.subi %sub3A_572, %min3A_570 : vector<16xi32>
    %convert_element_type3A_574 = arith.sitofp %sub3A_573 : vector<16xi32> to vector<16xf32>
    %swap3A_575 = arith.constant 15 : i32
    %swap3A_576 = arith.index_cast %swap3A_575 : i32 to index
    %swap3A_577 = arith.constant 0 : index
    %swap3A_578 = tpu.vector_load %arg6[%swap3A_576, %swap3A_577] {strides = array<i32>} : memref<16x16xf32, #tpu.memory_space<vmem>>, vector<1x16xf32>,
    %swap3A_579 = vector.shape_cast %swap3A_578 : vector<1x16xf32> to vector<16xf32>
    %swap3A_580 = vector.shape_cast %convert_element_type3A_574 : vector<16xf32> to vector<1x16xf32>
    tpu.vector_store %arg6[%swap3A_576, %swap3A_577], %swap3A_580 {strides = array<i32>} : memref<16x16xf32, #tpu.memory_space<vmem>>, vector<1x16xf32>,
    %add3A_581 = arith.constant 0 : i32
    %add3A_582 = arith.addi %mul3A_32, %add3A_581 : i32
    %slice3A_583 = vector.extract_strided_slice %max3A_42 {offsets = [0], sizes = [1], strides = [1]} : vector<16xi32> to vector<1xi32>
    %squeeze3A_584 = vector.extract %slice3A_583[0] : i32 from vector<1xi32>
    %jit3A_585 = arith.constant 16 : i32
    %div3A_586 = arith.divsi %squeeze3A_584, %jit3A_585 : i32
    %sign3A_587 = arith.constant 0 : i32
    %sign3A_588 = arith.cmpi sgt, %squeeze3A_584, %sign3A_587 : i32
    %sign3A_589 = arith.extui %sign3A_588 : i1 to i32
    %sign3A_590 = arith.constant 0 : i32
    %sign3A_591 = arith.cmpi slt, %squeeze3A_584, %sign3A_590 : i32
    %sign3A_592 = arith.extui %sign3A_591 : i1 to i32
    %sign3A_593 = arith.subi %sign3A_589, %sign3A_592 : i32
    %sign3A_594 = arith.constant 0 : i32
    %sign3A_595 = arith.cmpi sgt, %jit3A_585, %sign3A_594 : i32
    %sign3A_596 = arith.extui %sign3A_595 : i1 to i32
    %sign3A_597 = arith.constant 0 : i32
    %sign3A_598 = arith.cmpi slt, %jit3A_585, %sign3A_597 : i32
    %sign3A_599 = arith.extui %sign3A_598 : i1 to i32
    %sign3A_600 = arith.subi %sign3A_596, %sign3A_599 : i32
    %ne3A_601 = arith.cmpi ne, %sign3A_593, %sign3A_600 : i32
    %rem3A_602 = arith.remsi %squeeze3A_584, %jit3A_585 : i32
    %ne3A_603 = arith.constant 0 : i32
    %ne3A_604 = arith.cmpi ne, %rem3A_602, %ne3A_603 : i32
    %and3A_605 = arith.andi %ne3A_601, %ne3A_604 : i1
    %sub3A_606 = arith.constant 1 : i32
    %sub3A_607 = arith.subi %div3A_586, %sub3A_606 : i32
    %select_n3A_608 = arith.select %and3A_605, %sub3A_607, %div3A_586 : i32
    %mul3A_609 = arith.constant 16 : i32
    %mul3A_610 = arith.muli %select_n3A_608, %mul3A_609 : i32
    %dma_start3A_611 = arith.constant 0 : i32
    %dma_start3A_612 = arith.constant 0 : i32
    %dma_start3A_613 = tpu.memref_slice %arg6[%dma_start3A_611, %dma_start3A_612] : memref<16x16xf32, #tpu.memory_space<vmem>> -> memref<1x16xf32, #tpu.memory_space<vmem>>
    %dma_start3A_614 = tpu.memref_squeeze %dma_start3A_613 : memref<1x16xf32, #tpu.memory_space<vmem>> -> memref<16xf32, #tpu.memory_space<vmem>>
    %dma_start3A_615 = tpu.memref_slice %arg3[%add3A_582, %select_n3A, %mul3A_610] : memref<32x16x2048xf32, #tpu.memory_space<hbm>> -> memref<1x1x16xf32, #tpu.memory_space<hbm>>
    %dma_start3A_616 = tpu.memref_squeeze %dma_start3A_615 : memref<1x1x16xf32, #tpu.memory_space<hbm>> -> memref<16xf32, #tpu.memory_space<hbm>>
    %dma_start3A_617 = tpu.memref_slice %arg3[%add3A_582, %select_n3A, %mul3A_610] : memref<32x16x2048xf32, #tpu.memory_space<hbm>> -> memref<1x1x16xf32, #tpu.memory_space<hbm>>
    %dma_start3A_618 = tpu.memref_squeeze %dma_start3A_617 : memref<1x1x16xf32, #tpu.memory_space<hbm>> -> memref<16xf32, #tpu.memory_space<hbm>>
    %dma_start3A_619 = arith.constant 0 : i32
    %dma_start3A_620 = tpu.memref_slice %arg6[%dma_start3A_611, %dma_start3A_619] : memref<16x16xf32, #tpu.memory_space<vmem>> -> memref<1x16xf32, #tpu.memory_space<vmem>>
    %dma_start3A_621 = tpu.memref_squeeze %dma_start3A_620 : memref<1x16xf32, #tpu.memory_space<vmem>> -> memref<16xf32, #tpu.memory_space<vmem>>
    tpu.enqueue_dma source(%dma_start3A_621 : memref<16xf32, #tpu.memory_space<vmem>>) target(%dma_start3A_618 : memref<16xf32, #tpu.memory_space<hbm>>) target_semaphore(%arg8 : memref<!tpu.dma_semaphore, #tpu.memory_space<semaphore_mem>>)
    %add3A_622 = arith.constant 1 : i32
    %add3A_623 = arith.addi %mul3A_32, %add3A_622 : i32
    %slice3A_624 = vector.extract_strided_slice %max3A_42 {offsets = [1], sizes = [1], strides = [1]} : vector<16xi32> to vector<1xi32>
    %squeeze3A_625 = vector.extract %slice3A_624[0] : i32 from vector<1xi32>
    %jit3A_626 = arith.constant 16 : i32
    %div3A_627 = arith.divsi %squeeze3A_625, %jit3A_626 : i32
    %sign3A_628 = arith.constant 0 : i32
    %sign3A_629 = arith.cmpi sgt, %squeeze3A_625, %sign3A_628 : i32
    %sign3A_630 = arith.extui %sign3A_629 : i1 to i32
    %sign3A_631 = arith.constant 0 : i32
    %sign3A_632 = arith.cmpi slt, %squeeze3A_625, %sign3A_631 : i32
    %sign3A_633 = arith.extui %sign3A_632 : i1 to i32
    %sign3A_634 = arith.subi %sign3A_630, %sign3A_633 : i32
    %sign3A_635 = arith.constant 0 : i32
    %sign3A_636 = arith.cmpi sgt, %jit3A_626, %sign3A_635 : i32
    %sign3A_637 = arith.extui %sign3A_636 : i1 to i32
    %sign3A_638 = arith.constant 0 : i32
    %sign3A_639 = arith.cmpi slt, %jit3A_626, %sign3A_638 : i32
    %sign3A_640 = arith.extui %sign3A_639 : i1 to i32
    %sign3A_641 = arith.subi %sign3A_637, %sign3A_640 : i32
    %ne3A_642 = arith.cmpi ne, %sign3A_634, %sign3A_641 : i32
    %rem3A_643 = arith.remsi %squeeze3A_625, %jit3A_626 : i32
    %ne3A_644 = arith.constant 0 : i32
    %ne3A_645 = arith.cmpi ne, %rem3A_643, %ne3A_644 : i32
    %and3A_646 = arith.andi %ne3A_642, %ne3A_645 : i1
    %sub3A_647 = arith.constant 1 : i32
    %sub3A_648 = arith.subi %div3A_627, %sub3A_647 : i32
    %select_n3A_649 = arith.select %and3A_646, %sub3A_648, %div3A_627 : i32
    %mul3A_650 = arith.constant 16 : i32
    %mul3A_651 = arith.muli %select_n3A_649, %mul3A_650 : i32
    %dma_start3A_652 = arith.constant 1 : i32
    %dma_start3A_653 = arith.constant 0 : i32
    %dma_start3A_654 = tpu.memref_slice %arg6[%dma_start3A_652, %dma_start3A_653] : memref<16x16xf32, #tpu.memory_space<vmem>> -> memref<1x16xf32, #tpu.memory_space<vmem>>
    %dma_start3A_655 = tpu.memref_squeeze %dma_start3A_654 : memref<1x16xf32, #tpu.memory_space<vmem>> -> memref<16xf32, #tpu.memory_space<vmem>>
    %dma_start3A_656 = tpu.memref_slice %arg3[%add3A_623, %select_n3A, %mul3A_651] : memref<32x16x2048xf32, #tpu.memory_space<hbm>> -> memref<1x1x16xf32, #tpu.memory_space<hbm>>
    %dma_start3A_657 = tpu.memref_squeeze %dma_start3A_656 : memref<1x1x16xf32, #tpu.memory_space<hbm>> -> memref<16xf32, #tpu.memory_space<hbm>>
    %dma_start3A_658 = tpu.memref_slice %arg3[%add3A_623, %select_n3A, %mul3A_651] : memref<32x16x2048xf32, #tpu.memory_space<hbm>> -> memref<1x1x16xf32, #tpu.memory_space<hbm>>
    %dma_start3A_659 = tpu.memref_squeeze %dma_start3A_658 : memref<1x1x16xf32, #tpu.memory_space<hbm>> -> memref<16xf32, #tpu.memory_space<hbm>>
    %dma_start3A_660 = arith.constant 0 : i32
    %dma_start3A_661 = tpu.memref_slice %arg6[%dma_start3A_652, %dma_start3A_660] : memref<16x16xf32, #tpu.memory_space<vmem>> -> memref<1x16xf32, #tpu.memory_space<vmem>>
    %dma_start3A_662 = tpu.memref_squeeze %dma_start3A_661 : memref<1x16xf32, #tpu.memory_space<vmem>> -> memref<16xf32, #tpu.memory_space<vmem>>
    tpu.enqueue_dma source(%dma_start3A_662 : memref<16xf32, #tpu.memory_space<vmem>>) target(%dma_start3A_659 : memref<16xf32, #tpu.memory_space<hbm>>) target_semaphore(%arg8 : memref<!tpu.dma_semaphore, #tpu.memory_space<semaphore_mem>>)
    %add3A_663 = arith.constant 2 : i32
    %add3A_664 = arith.addi %mul3A_32, %add3A_663 : i32
    %slice3A_665 = vector.extract_strided_slice %max3A_42 {offsets = [2], sizes = [1], strides = [1]} : vector<16xi32> to vector<1xi32>
    %squeeze3A_666 = vector.extract %slice3A_665[0] : i32 from vector<1xi32>
    %jit3A_667 = arith.constant 16 : i32
    %div3A_668 = arith.divsi %squeeze3A_666, %jit3A_667 : i32
    %sign3A_669 = arith.constant 0 : i32
    %sign3A_670 = arith.cmpi sgt, %squeeze3A_666, %sign3A_669 : i32
    %sign3A_671 = arith.extui %sign3A_670 : i1 to i32
    %sign3A_672 = arith.constant 0 : i32
    %sign3A_673 = arith.cmpi slt, %squeeze3A_666, %sign3A_672 : i32
    %sign3A_674 = arith.extui %sign3A_673 : i1 to i32
    %sign3A_675 = arith.subi %sign3A_671, %sign3A_674 : i32
    %sign3A_676 = arith.constant 0 : i32
    %sign3A_677 = arith.cmpi sgt, %jit3A_667, %sign3A_676 : i32
    %sign3A_678 = arith.extui %sign3A_677 : i1 to i32
    %sign3A_679 = arith.constant 0 : i32
    %sign3A_680 = arith.cmpi slt, %jit3A_667, %sign3A_679 : i32
    %sign3A_681 = arith.extui %sign3A_680 : i1 to i32
    %sign3A_682 = arith.subi %sign3A_678, %sign3A_681 : i32
    %ne3A_683 = arith.cmpi ne, %sign3A_675, %sign3A_682 : i32
    %rem3A_684 = arith.remsi %squeeze3A_666, %jit3A_667 : i32
    %ne3A_685 = arith.constant 0 : i32
    %ne3A_686 = arith.cmpi ne, %rem3A_684, %ne3A_685 : i32
    %and3A_687 = arith.andi %ne3A_683, %ne3A_686 : i1
    %sub3A_688 = arith.constant 1 : i32
    %sub3A_689 = arith.subi %div3A_668, %sub3A_688 : i32
    %select_n3A_690 = arith.select %and3A_687, %sub3A_689, %div3A_668 : i32
    %mul3A_691 = arith.constant 16 : i32
    %mul3A_692 = arith.muli %select_n3A_690, %mul3A_691 : i32
    %dma_start3A_693 = arith.constant 2 : i32
    %dma_start3A_694 = arith.constant 0 : i32
    %dma_start3A_695 = tpu.memref_slice %arg6[%dma_start3A_693, %dma_start3A_694] : memref<16x16xf32, #tpu.memory_space<vmem>> -> memref<1x16xf32, #tpu.memory_space<vmem>>
    %dma_start3A_696 = tpu.memref_squeeze %dma_start3A_695 : memref<1x16xf32, #tpu.memory_space<vmem>> -> memref<16xf32, #tpu.memory_space<vmem>>
    %dma_start3A_697 = tpu.memref_slice %arg3[%add3A_664, %select_n3A, %mul3A_692] : memref<32x16x2048xf32, #tpu.memory_space<hbm>> -> memref<1x1x16xf32, #tpu.memory_space<hbm>>
    %dma_start3A_698 = tpu.memref_squeeze %dma_start3A_697 : memref<1x1x16xf32, #tpu.memory_space<hbm>> -> memref<16xf32, #tpu.memory_space<hbm>>
    %dma_start3A_699 = tpu.memref_slice %arg3[%add3A_664, %select_n3A, %mul3A_692] : memref<32x16x2048xf32, #tpu.memory_space<hbm>> -> memref<1x1x16xf32, #tpu.memory_space<hbm>>
    %dma_start3A_700 = tpu.memref_squeeze %dma_start3A_699 : memref<1x1x16xf32, #tpu.memory_space<hbm>> -> memref<16xf32, #tpu.memory_space<hbm>>
    %dma_start3A_701 = arith.constant 0 : i32
    %dma_start3A_702 = tpu.memref_slice %arg6[%dma_start3A_693, %dma_start3A_701] : memref<16x16xf32, #tpu.memory_space<vmem>> -> memref<1x16xf32, #tpu.memory_space<vmem>>
    %dma_start3A_703 = tpu.memref_squeeze %dma_start3A_702 : memref<1x16xf32, #tpu.memory_space<vmem>> -> memref<16xf32, #tpu.memory_space<vmem>>
    tpu.enqueue_dma source(%dma_start3A_703 : memref<16xf32, #tpu.memory_space<vmem>>) target(%dma_start3A_700 : memref<16xf32, #tpu.memory_space<hbm>>) target_semaphore(%arg8 : memref<!tpu.dma_semaphore, #tpu.memory_space<semaphore_mem>>)
    %add3A_704 = arith.constant 3 : i32
    %add3A_705 = arith.addi %mul3A_32, %add3A_704 : i32
    %slice3A_706 = vector.extract_strided_slice %max3A_42 {offsets = [3], sizes = [1], strides = [1]} : vector<16xi32> to vector<1xi32>
    %squeeze3A_707 = vector.extract %slice3A_706[0] : i32 from vector<1xi32>
    %jit3A_708 = arith.constant 16 : i32
    %div3A_709 = arith.divsi %squeeze3A_707, %jit3A_708 : i32
    %sign3A_710 = arith.constant 0 : i32
    %sign3A_711 = arith.cmpi sgt, %squeeze3A_707, %sign3A_710 : i32
    %sign3A_712 = arith.extui %sign3A_711 : i1 to i32
    %sign3A_713 = arith.constant 0 : i32
    %sign3A_714 = arith.cmpi slt, %squeeze3A_707, %sign3A_713 : i32
    %sign3A_715 = arith.extui %sign3A_714 : i1 to i32
    %sign3A_716 = arith.subi %sign3A_712, %sign3A_715 : i32
    %sign3A_717 = arith.constant 0 : i32
    %sign3A_718 = arith.cmpi sgt, %jit3A_708, %sign3A_717 : i32
    %sign3A_719 = arith.extui %sign3A_718 : i1 to i32
    %sign3A_720 = arith.constant 0 : i32
    %sign3A_721 = arith.cmpi slt, %jit3A_708, %sign3A_720 : i32
    %sign3A_722 = arith.extui %sign3A_721 : i1 to i32
    %sign3A_723 = arith.subi %sign3A_719, %sign3A_722 : i32
    %ne3A_724 = arith.cmpi ne, %sign3A_716, %sign3A_723 : i32
    %rem3A_725 = arith.remsi %squeeze3A_707, %jit3A_708 : i32
    %ne3A_726 = arith.constant 0 : i32
    %ne3A_727 = arith.cmpi ne, %rem3A_725, %ne3A_726 : i32
    %and3A_728 = arith.andi %ne3A_724, %ne3A_727 : i1
    %sub3A_729 = arith.constant 1 : i32
    %sub3A_730 = arith.subi %div3A_709, %sub3A_729 : i32
    %select_n3A_731 = arith.select %and3A_728, %sub3A_730, %div3A_709 : i32
    %mul3A_732 = arith.constant 16 : i32
    %mul3A_733 = arith.muli %select_n3A_731, %mul3A_732 : i32
    %dma_start3A_734 = arith.constant 3 : i32
    %dma_start3A_735 = arith.constant 0 : i32
    %dma_start3A_736 = tpu.memref_slice %arg6[%dma_start3A_734, %dma_start3A_735] : memref<16x16xf32, #tpu.memory_space<vmem>> -> memref<1x16xf32, #tpu.memory_space<vmem>>
    %dma_start3A_737 = tpu.memref_squeeze %dma_start3A_736 : memref<1x16xf32, #tpu.memory_space<vmem>> -> memref<16xf32, #tpu.memory_space<vmem>>
    %dma_start3A_738 = tpu.memref_slice %arg3[%add3A_705, %select_n3A, %mul3A_733] : memref<32x16x2048xf32, #tpu.memory_space<hbm>> -> memref<1x1x16xf32, #tpu.memory_space<hbm>>
    %dma_start3A_739 = tpu.memref_squeeze %dma_start3A_738 : memref<1x1x16xf32, #tpu.memory_space<hbm>> -> memref<16xf32, #tpu.memory_space<hbm>>
    %dma_start3A_740 = tpu.memref_slice %arg3[%add3A_705, %select_n3A, %mul3A_733] : memref<32x16x2048xf32, #tpu.memory_space<hbm>> -> memref<1x1x16xf32, #tpu.memory_space<hbm>>
    %dma_start3A_741 = tpu.memref_squeeze %dma_start3A_740 : memref<1x1x16xf32, #tpu.memory_space<hbm>> -> memref<16xf32, #tpu.memory_space<hbm>>
    %dma_start3A_742 = arith.constant 0 : i32
    %dma_start3A_743 = tpu.memref_slice %arg6[%dma_start3A_734, %dma_start3A_742] : memref<16x16xf32, #tpu.memory_space<vmem>> -> memref<1x16xf32, #tpu.memory_space<vmem>>
    %dma_start3A_744 = tpu.memref_squeeze %dma_start3A_743 : memref<1x16xf32, #tpu.memory_space<vmem>> -> memref<16xf32, #tpu.memory_space<vmem>>
    tpu.enqueue_dma source(%dma_start3A_744 : memref<16xf32, #tpu.memory_space<vmem>>) target(%dma_start3A_741 : memref<16xf32, #tpu.memory_space<hbm>>) target_semaphore(%arg8 : memref<!tpu.dma_semaphore, #tpu.memory_space<semaphore_mem>>)
    %add3A_745 = arith.constant 4 : i32
    %add3A_746 = arith.addi %mul3A_32, %add3A_745 : i32
    %slice3A_747 = vector.extract_strided_slice %max3A_42 {offsets = [4], sizes = [1], strides = [1]} : vector<16xi32> to vector<1xi32>
    %squeeze3A_748 = vector.extract %slice3A_747[0] : i32 from vector<1xi32>
    %jit3A_749 = arith.constant 16 : i32
    %div3A_750 = arith.divsi %squeeze3A_748, %jit3A_749 : i32
    %sign3A_751 = arith.constant 0 : i32
    %sign3A_752 = arith.cmpi sgt, %squeeze3A_748, %sign3A_751 : i32
    %sign3A_753 = arith.extui %sign3A_752 : i1 to i32
    %sign3A_754 = arith.constant 0 : i32
    %sign3A_755 = arith.cmpi slt, %squeeze3A_748, %sign3A_754 : i32
    %sign3A_756 = arith.extui %sign3A_755 : i1 to i32
    %sign3A_757 = arith.subi %sign3A_753, %sign3A_756 : i32
    %sign3A_758 = arith.constant 0 : i32
    %sign3A_759 = arith.cmpi sgt, %jit3A_749, %sign3A_758 : i32
    %sign3A_760 = arith.extui %sign3A_759 : i1 to i32
    %sign3A_761 = arith.constant 0 : i32
    %sign3A_762 = arith.cmpi slt, %jit3A_749, %sign3A_761 : i32
    %sign3A_763 = arith.extui %sign3A_762 : i1 to i32
    %sign3A_764 = arith.subi %sign3A_760, %sign3A_763 : i32
    %ne3A_765 = arith.cmpi ne, %sign3A_757, %sign3A_764 : i32
    %rem3A_766 = arith.remsi %squeeze3A_748, %jit3A_749 : i32
    %ne3A_767 = arith.constant 0 : i32
    %ne3A_768 = arith.cmpi ne, %rem3A_766, %ne3A_767 : i32
    %and3A_769 = arith.andi %ne3A_765, %ne3A_768 : i1
    %sub3A_770 = arith.constant 1 : i32
    %sub3A_771 = arith.subi %div3A_750, %sub3A_770 : i32
    %select_n3A_772 = arith.select %and3A_769, %sub3A_771, %div3A_750 : i32
    %mul3A_773 = arith.constant 16 : i32
    %mul3A_774 = arith.muli %select_n3A_772, %mul3A_773 : i32
    %dma_start3A_775 = arith.constant 4 : i32
    %dma_start3A_776 = arith.constant 0 : i32
    %dma_start3A_777 = tpu.memref_slice %arg6[%dma_start3A_775, %dma_start3A_776] : memref<16x16xf32, #tpu.memory_space<vmem>> -> memref<1x16xf32, #tpu.memory_space<vmem>>
    %dma_start3A_778 = tpu.memref_squeeze %dma_start3A_777 : memref<1x16xf32, #tpu.memory_space<vmem>> -> memref<16xf32, #tpu.memory_space<vmem>>
    %dma_start3A_779 = tpu.memref_slice %arg3[%add3A_746, %select_n3A, %mul3A_774] : memref<32x16x2048xf32, #tpu.memory_space<hbm>> -> memref<1x1x16xf32, #tpu.memory_space<hbm>>
    %dma_start3A_780 = tpu.memref_squeeze %dma_start3A_779 : memref<1x1x16xf32, #tpu.memory_space<hbm>> -> memref<16xf32, #tpu.memory_space<hbm>>
    %dma_start3A_781 = tpu.memref_slice %arg3[%add3A_746, %select_n3A, %mul3A_774] : memref<32x16x2048xf32, #tpu.memory_space<hbm>> -> memref<1x1x16xf32, #tpu.memory_space<hbm>>
    %dma_start3A_782 = tpu.memref_squeeze %dma_start3A_781 : memref<1x1x16xf32, #tpu.memory_space<hbm>> -> memref<16xf32, #tpu.memory_space<hbm>>
    %dma_start3A_783 = arith.constant 0 : i32
    %dma_start3A_784 = tpu.memref_slice %arg6[%dma_start3A_775, %dma_start3A_783] : memref<16x16xf32, #tpu.memory_space<vmem>> -> memref<1x16xf32, #tpu.memory_space<vmem>>
    %dma_start3A_785 = tpu.memref_squeeze %dma_start3A_784 : memref<1x16xf32, #tpu.memory_space<vmem>> -> memref<16xf32, #tpu.memory_space<vmem>>
    tpu.enqueue_dma source(%dma_start3A_785 : memref<16xf32, #tpu.memory_space<vmem>>) target(%dma_start3A_782 : memref<16xf32, #tpu.memory_space<hbm>>) target_semaphore(%arg8 : memref<!tpu.dma_semaphore, #tpu.memory_space<semaphore_mem>>)
    %add3A_786 = arith.constant 5 : i32
    %add3A_787 = arith.addi %mul3A_32, %add3A_786 : i32
    %slice3A_788 = vector.extract_strided_slice %max3A_42 {offsets = [5], sizes = [1], strides = [1]} : vector<16xi32> to vector<1xi32>
    %squeeze3A_789 = vector.extract %slice3A_788[0] : i32 from vector<1xi32>
    %jit3A_790 = arith.constant 16 : i32
    %div3A_791 = arith.divsi %squeeze3A_789, %jit3A_790 : i32
    %sign3A_792 = arith.constant 0 : i32
    %sign3A_793 = arith.cmpi sgt, %squeeze3A_789, %sign3A_792 : i32
    %sign3A_794 = arith.extui %sign3A_793 : i1 to i32
    %sign3A_795 = arith.constant 0 : i32
    %sign3A_796 = arith.cmpi slt, %squeeze3A_789, %sign3A_795 : i32
    %sign3A_797 = arith.extui %sign3A_796 : i1 to i32
    %sign3A_798 = arith.subi %sign3A_794, %sign3A_797 : i32
    %sign3A_799 = arith.constant 0 : i32
    %sign3A_800 = arith.cmpi sgt, %jit3A_790, %sign3A_799 : i32
    %sign3A_801 = arith.extui %sign3A_800 : i1 to i32
    %sign3A_802 = arith.constant 0 : i32
    %sign3A_803 = arith.cmpi slt, %jit3A_790, %sign3A_802 : i32
    %sign3A_804 = arith.extui %sign3A_803 : i1 to i32
    %sign3A_805 = arith.subi %sign3A_801, %sign3A_804 : i32
    %ne3A_806 = arith.cmpi ne, %sign3A_798, %sign3A_805 : i32
    %rem3A_807 = arith.remsi %squeeze3A_789, %jit3A_790 : i32
    %ne3A_808 = arith.constant 0 : i32
    %ne3A_809 = arith.cmpi ne, %rem3A_807, %ne3A_808 : i32
    %and3A_810 = arith.andi %ne3A_806, %ne3A_809 : i1
    %sub3A_811 = arith.constant 1 : i32
    %sub3A_812 = arith.subi %div3A_791, %sub3A_811 : i32
    %select_n3A_813 = arith.select %and3A_810, %sub3A_812, %div3A_791 : i32
    %mul3A_814 = arith.constant 16 : i32
    %mul3A_815 = arith.muli %select_n3A_813, %mul3A_814 : i32
    %dma_start3A_816 = arith.constant 5 : i32
    %dma_start3A_817 = arith.constant 0 : i32
    %dma_start3A_818 = tpu.memref_slice %arg6[%dma_start3A_816, %dma_start3A_817] : memref<16x16xf32, #tpu.memory_space<vmem>> -> memref<1x16xf32, #tpu.memory_space<vmem>>
    %dma_start3A_819 = tpu.memref_squeeze %dma_start3A_818 : memref<1x16xf32, #tpu.memory_space<vmem>> -> memref<16xf32, #tpu.memory_space<vmem>>
    %dma_start3A_820 = tpu.memref_slice %arg3[%add3A_787, %select_n3A, %mul3A_815] : memref<32x16x2048xf32, #tpu.memory_space<hbm>> -> memref<1x1x16xf32, #tpu.memory_space<hbm>>
    %dma_start3A_821 = tpu.memref_squeeze %dma_start3A_820 : memref<1x1x16xf32, #tpu.memory_space<hbm>> -> memref<16xf32, #tpu.memory_space<hbm>>
    %dma_start3A_822 = tpu.memref_slice %arg3[%add3A_787, %select_n3A, %mul3A_815] : memref<32x16x2048xf32, #tpu.memory_space<hbm>> -> memref<1x1x16xf32, #tpu.memory_space<hbm>>
    %dma_start3A_823 = tpu.memref_squeeze %dma_start3A_822 : memref<1x1x16xf32, #tpu.memory_space<hbm>> -> memref<16xf32, #tpu.memory_space<hbm>>
    %dma_start3A_824 = arith.constant 0 : i32
    %dma_start3A_825 = tpu.memref_slice %arg6[%dma_start3A_816, %dma_start3A_824] : memref<16x16xf32, #tpu.memory_space<vmem>> -> memref<1x16xf32, #tpu.memory_space<vmem>>
    %dma_start3A_826 = tpu.memref_squeeze %dma_start3A_825 : memref<1x16xf32, #tpu.memory_space<vmem>> -> memref<16xf32, #tpu.memory_space<vmem>>
    tpu.enqueue_dma source(%dma_start3A_826 : memref<16xf32, #tpu.memory_space<vmem>>) target(%dma_start3A_823 : memref<16xf32, #tpu.memory_space<hbm>>) target_semaphore(%arg8 : memref<!tpu.dma_semaphore, #tpu.memory_space<semaphore_mem>>)
    %add3A_827 = arith.constant 6 : i32
    %add3A_828 = arith.addi %mul3A_32, %add3A_827 : i32
    %slice3A_829 = vector.extract_strided_slice %max3A_42 {offsets = [6], sizes = [1], strides = [1]} : vector<16xi32> to vector<1xi32>
    %squeeze3A_830 = vector.extract %slice3A_829[0] : i32 from vector<1xi32>
    %jit3A_831 = arith.constant 16 : i32
    %div3A_832 = arith.divsi %squeeze3A_830, %jit3A_831 : i32
    %sign3A_833 = arith.constant 0 : i32
    %sign3A_834 = arith.cmpi sgt, %squeeze3A_830, %sign3A_833 : i32
    %sign3A_835 = arith.extui %sign3A_834 : i1 to i32
    %sign3A_836 = arith.constant 0 : i32
    %sign3A_837 = arith.cmpi slt, %squeeze3A_830, %sign3A_836 : i32
    %sign3A_838 = arith.extui %sign3A_837 : i1 to i32
    %sign3A_839 = arith.subi %sign3A_835, %sign3A_838 : i32
    %sign3A_840 = arith.constant 0 : i32
    %sign3A_841 = arith.cmpi sgt, %jit3A_831, %sign3A_840 : i32
    %sign3A_842 = arith.extui %sign3A_841 : i1 to i32
    %sign3A_843 = arith.constant 0 : i32
    %sign3A_844 = arith.cmpi slt, %jit3A_831, %sign3A_843 : i32
    %sign3A_845 = arith.extui %sign3A_844 : i1 to i32
    %sign3A_846 = arith.subi %sign3A_842, %sign3A_845 : i32
    %ne3A_847 = arith.cmpi ne, %sign3A_839, %sign3A_846 : i32
    %rem3A_848 = arith.remsi %squeeze3A_830, %jit3A_831 : i32
    %ne3A_849 = arith.constant 0 : i32
    %ne3A_850 = arith.cmpi ne, %rem3A_848, %ne3A_849 : i32
    %and3A_851 = arith.andi %ne3A_847, %ne3A_850 : i1
    %sub3A_852 = arith.constant 1 : i32
    %sub3A_853 = arith.subi %div3A_832, %sub3A_852 : i32
    %select_n3A_854 = arith.select %and3A_851, %sub3A_853, %div3A_832 : i32
    %mul3A_855 = arith.constant 16 : i32
    %mul3A_856 = arith.muli %select_n3A_854, %mul3A_855 : i32
    %dma_start3A_857 = arith.constant 6 : i32
    %dma_start3A_858 = arith.constant 0 : i32
    %dma_start3A_859 = tpu.memref_slice %arg6[%dma_start3A_857, %dma_start3A_858] : memref<16x16xf32, #tpu.memory_space<vmem>> -> memref<1x16xf32, #tpu.memory_space<vmem>>
    %dma_start3A_860 = tpu.memref_squeeze %dma_start3A_859 : memref<1x16xf32, #tpu.memory_space<vmem>> -> memref<16xf32, #tpu.memory_space<vmem>>
    %dma_start3A_861 = tpu.memref_slice %arg3[%add3A_828, %select_n3A, %mul3A_856] : memref<32x16x2048xf32, #tpu.memory_space<hbm>> -> memref<1x1x16xf32, #tpu.memory_space<hbm>>
    %dma_start3A_862 = tpu.memref_squeeze %dma_start3A_861 : memref<1x1x16xf32, #tpu.memory_space<hbm>> -> memref<16xf32, #tpu.memory_space<hbm>>
    %dma_start3A_863 = tpu.memref_slice %arg3[%add3A_828, %select_n3A, %mul3A_856] : memref<32x16x2048xf32, #tpu.memory_space<hbm>> -> memref<1x1x16xf32, #tpu.memory_space<hbm>>
    %dma_start3A_864 = tpu.memref_squeeze %dma_start3A_863 : memref<1x1x16xf32, #tpu.memory_space<hbm>> -> memref<16xf32, #tpu.memory_space<hbm>>
    %dma_start3A_865 = arith.constant 0 : i32
    %dma_start3A_866 = tpu.memref_slice %arg6[%dma_start3A_857, %dma_start3A_865] : memref<16x16xf32, #tpu.memory_space<vmem>> -> memref<1x16xf32, #tpu.memory_space<vmem>>
    %dma_start3A_867 = tpu.memref_squeeze %dma_start3A_866 : memref<1x16xf32, #tpu.memory_space<vmem>> -> memref<16xf32, #tpu.memory_space<vmem>>
    tpu.enqueue_dma source(%dma_start3A_867 : memref<16xf32, #tpu.memory_space<vmem>>) target(%dma_start3A_864 : memref<16xf32, #tpu.memory_space<hbm>>) target_semaphore(%arg8 : memref<!tpu.dma_semaphore, #tpu.memory_space<semaphore_mem>>)
    %add3A_868 = arith.constant 7 : i32
    %add3A_869 = arith.addi %mul3A_32, %add3A_868 : i32
    %slice3A_870 = vector.extract_strided_slice %max3A_42 {offsets = [7], sizes = [1], strides = [1]} : vector<16xi32> to vector<1xi32>
    %squeeze3A_871 = vector.extract %slice3A_870[0] : i32 from vector<1xi32>
    %jit3A_872 = arith.constant 16 : i32
    %div3A_873 = arith.divsi %squeeze3A_871, %jit3A_872 : i32
    %sign3A_874 = arith.constant 0 : i32
    %sign3A_875 = arith.cmpi sgt, %squeeze3A_871, %sign3A_874 : i32
    %sign3A_876 = arith.extui %sign3A_875 : i1 to i32
    %sign3A_877 = arith.constant 0 : i32
    %sign3A_878 = arith.cmpi slt, %squeeze3A_871, %sign3A_877 : i32
    %sign3A_879 = arith.extui %sign3A_878 : i1 to i32
    %sign3A_880 = arith.subi %sign3A_876, %sign3A_879 : i32
    %sign3A_881 = arith.constant 0 : i32
    %sign3A_882 = arith.cmpi sgt, %jit3A_872, %sign3A_881 : i32
    %sign3A_883 = arith.extui %sign3A_882 : i1 to i32
    %sign3A_884 = arith.constant 0 : i32
    %sign3A_885 = arith.cmpi slt, %jit3A_872, %sign3A_884 : i32
    %sign3A_886 = arith.extui %sign3A_885 : i1 to i32
    %sign3A_887 = arith.subi %sign3A_883, %sign3A_886 : i32
    %ne3A_888 = arith.cmpi ne, %sign3A_880, %sign3A_887 : i32
    %rem3A_889 = arith.remsi %squeeze3A_871, %jit3A_872 : i32
    %ne3A_890 = arith.constant 0 : i32
    %ne3A_891 = arith.cmpi ne, %rem3A_889, %ne3A_890 : i32
    %and3A_892 = arith.andi %ne3A_888, %ne3A_891 : i1
    %sub3A_893 = arith.constant 1 : i32
    %sub3A_894 = arith.subi %div3A_873, %sub3A_893 : i32
    %select_n3A_895 = arith.select %and3A_892, %sub3A_894, %div3A_873 : i32
    %mul3A_896 = arith.constant 16 : i32
    %mul3A_897 = arith.muli %select_n3A_895, %mul3A_896 : i32
    %dma_start3A_898 = arith.constant 7 : i32
    %dma_start3A_899 = arith.constant 0 : i32
    %dma_start3A_900 = tpu.memref_slice %arg6[%dma_start3A_898, %dma_start3A_899] : memref<16x16xf32, #tpu.memory_space<vmem>> -> memref<1x16xf32, #tpu.memory_space<vmem>>
    %dma_start3A_901 = tpu.memref_squeeze %dma_start3A_900 : memref<1x16xf32, #tpu.memory_space<vmem>> -> memref<16xf32, #tpu.memory_space<vmem>>
    %dma_start3A_902 = tpu.memref_slice %arg3[%add3A_869, %select_n3A, %mul3A_897] : memref<32x16x2048xf32, #tpu.memory_space<hbm>> -> memref<1x1x16xf32, #tpu.memory_space<hbm>>
    %dma_start3A_903 = tpu.memref_squeeze %dma_start3A_902 : memref<1x1x16xf32, #tpu.memory_space<hbm>> -> memref<16xf32, #tpu.memory_space<hbm>>
    %dma_start3A_904 = tpu.memref_slice %arg3[%add3A_869, %select_n3A, %mul3A_897] : memref<32x16x2048xf32, #tpu.memory_space<hbm>> -> memref<1x1x16xf32, #tpu.memory_space<hbm>>
    %dma_start3A_905 = tpu.memref_squeeze %dma_start3A_904 : memref<1x1x16xf32, #tpu.memory_space<hbm>> -> memref<16xf32, #tpu.memory_space<hbm>>
    %dma_start3A_906 = arith.constant 0 : i32
    %dma_start3A_907 = tpu.memref_slice %arg6[%dma_start3A_898, %dma_start3A_906] : memref<16x16xf32, #tpu.memory_space<vmem>> -> memref<1x16xf32, #tpu.memory_space<vmem>>
    %dma_start3A_908 = tpu.memref_squeeze %dma_start3A_907 : memref<1x16xf32, #tpu.memory_space<vmem>> -> memref<16xf32, #tpu.memory_space<vmem>>
    tpu.enqueue_dma source(%dma_start3A_908 : memref<16xf32, #tpu.memory_space<vmem>>) target(%dma_start3A_905 : memref<16xf32, #tpu.memory_space<hbm>>) target_semaphore(%arg8 : memref<!tpu.dma_semaphore, #tpu.memory_space<semaphore_mem>>)
    %add3A_909 = arith.constant 8 : i32
    %add3A_910 = arith.addi %mul3A_32, %add3A_909 : i32
    %slice3A_911 = vector.extract_strided_slice %max3A_42 {offsets = [8], sizes = [1], strides = [1]} : vector<16xi32> to vector<1xi32>
    %squeeze3A_912 = vector.extract %slice3A_911[0] : i32 from vector<1xi32>
    %jit3A_913 = arith.constant 16 : i32
    %div3A_914 = arith.divsi %squeeze3A_912, %jit3A_913 : i32
    %sign3A_915 = arith.constant 0 : i32
    %sign3A_916 = arith.cmpi sgt, %squeeze3A_912, %sign3A_915 : i32
    %sign3A_917 = arith.extui %sign3A_916 : i1 to i32
    %sign3A_918 = arith.constant 0 : i32
    %sign3A_919 = arith.cmpi slt, %squeeze3A_912, %sign3A_918 : i32
    %sign3A_920 = arith.extui %sign3A_919 : i1 to i32
    %sign3A_921 = arith.subi %sign3A_917, %sign3A_920 : i32
    %sign3A_922 = arith.constant 0 : i32
    %sign3A_923 = arith.cmpi sgt, %jit3A_913, %sign3A_922 : i32
    %sign3A_924 = arith.extui %sign3A_923 : i1 to i32
    %sign3A_925 = arith.constant 0 : i32
    %sign3A_926 = arith.cmpi slt, %jit3A_913, %sign3A_925 : i32
    %sign3A_927 = arith.extui %sign3A_926 : i1 to i32
    %sign3A_928 = arith.subi %sign3A_924, %sign3A_927 : i32
    %ne3A_929 = arith.cmpi ne, %sign3A_921, %sign3A_928 : i32
    %rem3A_930 = arith.remsi %squeeze3A_912, %jit3A_913 : i32
    %ne3A_931 = arith.constant 0 : i32
    %ne3A_932 = arith.cmpi ne, %rem3A_930, %ne3A_931 : i32
    %and3A_933 = arith.andi %ne3A_929, %ne3A_932 : i1
    %sub3A_934 = arith.constant 1 : i32
    %sub3A_935 = arith.subi %div3A_914, %sub3A_934 : i32
    %select_n3A_936 = arith.select %and3A_933, %sub3A_935, %div3A_914 : i32
    %mul3A_937 = arith.constant 16 : i32
    %mul3A_938 = arith.muli %select_n3A_936, %mul3A_937 : i32
    %dma_start3A_939 = arith.constant 8 : i32
    %dma_start3A_940 = arith.constant 0 : i32
    %dma_start3A_941 = tpu.memref_slice %arg6[%dma_start3A_939, %dma_start3A_940] : memref<16x16xf32, #tpu.memory_space<vmem>> -> memref<1x16xf32, #tpu.memory_space<vmem>>
    %dma_start3A_942 = tpu.memref_squeeze %dma_start3A_941 : memref<1x16xf32, #tpu.memory_space<vmem>> -> memref<16xf32, #tpu.memory_space<vmem>>
    %dma_start3A_943 = tpu.memref_slice %arg3[%add3A_910, %select_n3A, %mul3A_938] : memref<32x16x2048xf32, #tpu.memory_space<hbm>> -> memref<1x1x16xf32, #tpu.memory_space<hbm>>
    %dma_start3A_944 = tpu.memref_squeeze %dma_start3A_943 : memref<1x1x16xf32, #tpu.memory_space<hbm>> -> memref<16xf32, #tpu.memory_space<hbm>>
    %dma_start3A_945 = tpu.memref_slice %arg3[%add3A_910, %select_n3A, %mul3A_938] : memref<32x16x2048xf32, #tpu.memory_space<hbm>> -> memref<1x1x16xf32, #tpu.memory_space<hbm>>
    %dma_start3A_946 = tpu.memref_squeeze %dma_start3A_945 : memref<1x1x16xf32, #tpu.memory_space<hbm>> -> memref<16xf32, #tpu.memory_space<hbm>>
    %dma_start3A_947 = arith.constant 0 : i32
    %dma_start3A_948 = tpu.memref_slice %arg6[%dma_start3A_939, %dma_start3A_947] : memref<16x16xf32, #tpu.memory_space<vmem>> -> memref<1x16xf32, #tpu.memory_space<vmem>>
    %dma_start3A_949 = tpu.memref_squeeze %dma_start3A_948 : memref<1x16xf32, #tpu.memory_space<vmem>> -> memref<16xf32, #tpu.memory_space<vmem>>
    tpu.enqueue_dma source(%dma_start3A_949 : memref<16xf32, #tpu.memory_space<vmem>>) target(%dma_start3A_946 : memref<16xf32, #tpu.memory_space<hbm>>) target_semaphore(%arg8 : memref<!tpu.dma_semaphore, #tpu.memory_space<semaphore_mem>>)
    %add3A_950 = arith.constant 9 : i32
    %add3A_951 = arith.addi %mul3A_32, %add3A_950 : i32
    %slice3A_952 = vector.extract_strided_slice %max3A_42 {offsets = [9], sizes = [1], strides = [1]} : vector<16xi32> to vector<1xi32>
    %squeeze3A_953 = vector.extract %slice3A_952[0] : i32 from vector<1xi32>
    %jit3A_954 = arith.constant 16 : i32
    %div3A_955 = arith.divsi %squeeze3A_953, %jit3A_954 : i32
    %sign3A_956 = arith.constant 0 : i32
    %sign3A_957 = arith.cmpi sgt, %squeeze3A_953, %sign3A_956 : i32
    %sign3A_958 = arith.extui %sign3A_957 : i1 to i32
    %sign3A_959 = arith.constant 0 : i32
    %sign3A_960 = arith.cmpi slt, %squeeze3A_953, %sign3A_959 : i32
    %sign3A_961 = arith.extui %sign3A_960 : i1 to i32
    %sign3A_962 = arith.subi %sign3A_958, %sign3A_961 : i32
    %sign3A_963 = arith.constant 0 : i32
    %sign3A_964 = arith.cmpi sgt, %jit3A_954, %sign3A_963 : i32
    %sign3A_965 = arith.extui %sign3A_964 : i1 to i32
    %sign3A_966 = arith.constant 0 : i32
    %sign3A_967 = arith.cmpi slt, %jit3A_954, %sign3A_966 : i32
    %sign3A_968 = arith.extui %sign3A_967 : i1 to i32
    %sign3A_969 = arith.subi %sign3A_965, %sign3A_968 : i32
    %ne3A_970 = arith.cmpi ne, %sign3A_962, %sign3A_969 : i32
    %rem3A_971 = arith.remsi %squeeze3A_953, %jit3A_954 : i32
    %ne3A_972 = arith.constant 0 : i32
    %ne3A_973 = arith.cmpi ne, %rem3A_971, %ne3A_972 : i32
    %and3A_974 = arith.andi %ne3A_970, %ne3A_973 : i1
    %sub3A_975 = arith.constant 1 : i32
    %sub3A_976 = arith.subi %div3A_955, %sub3A_975 : i32
    %select_n3A_977 = arith.select %and3A_974, %sub3A_976, %div3A_955 : i32
    %mul3A_978 = arith.constant 16 : i32
    %mul3A_979 = arith.muli %select_n3A_977, %mul3A_978 : i32
    %dma_start3A_980 = arith.constant 9 : i32
    %dma_start3A_981 = arith.constant 0 : i32
    %dma_start3A_982 = tpu.memref_slice %arg6[%dma_start3A_980, %dma_start3A_981] : memref<16x16xf32, #tpu.memory_space<vmem>> -> memref<1x16xf32, #tpu.memory_space<vmem>>
    %dma_start3A_983 = tpu.memref_squeeze %dma_start3A_982 : memref<1x16xf32, #tpu.memory_space<vmem>> -> memref<16xf32, #tpu.memory_space<vmem>>
    %dma_start3A_984 = tpu.memref_slice %arg3[%add3A_951, %select_n3A, %mul3A_979] : memref<32x16x2048xf32, #tpu.memory_space<hbm>> -> memref<1x1x16xf32, #tpu.memory_space<hbm>>
    %dma_start3A_985 = tpu.memref_squeeze %dma_start3A_984 : memref<1x1x16xf32, #tpu.memory_space<hbm>> -> memref<16xf32, #tpu.memory_space<hbm>>
    %dma_start3A_986 = tpu.memref_slice %arg3[%add3A_951, %select_n3A, %mul3A_979] : memref<32x16x2048xf32, #tpu.memory_space<hbm>> -> memref<1x1x16xf32, #tpu.memory_space<hbm>>
    %dma_start3A_987 = tpu.memref_squeeze %dma_start3A_986 : memref<1x1x16xf32, #tpu.memory_space<hbm>> -> memref<16xf32, #tpu.memory_space<hbm>>
    %dma_start3A_988 = arith.constant 0 : i32
    %dma_start3A_989 = tpu.memref_slice %arg6[%dma_start3A_980, %dma_start3A_988] : memref<16x16xf32, #tpu.memory_space<vmem>> -> memref<1x16xf32, #tpu.memory_space<vmem>>
    %dma_start3A_990 = tpu.memref_squeeze %dma_start3A_989 : memref<1x16xf32, #tpu.memory_space<vmem>> -> memref<16xf32, #tpu.memory_space<vmem>>
    tpu.enqueue_dma source(%dma_start3A_990 : memref<16xf32, #tpu.memory_space<vmem>>) target(%dma_start3A_987 : memref<16xf32, #tpu.memory_space<hbm>>) target_semaphore(%arg8 : memref<!tpu.dma_semaphore, #tpu.memory_space<semaphore_mem>>)
    %add3A_991 = arith.constant 10 : i32
    %add3A_992 = arith.addi %mul3A_32, %add3A_991 : i32
    %slice3A_993 = vector.extract_strided_slice %max3A_42 {offsets = [10], sizes = [1], strides = [1]} : vector<16xi32> to vector<1xi32>
    %squeeze3A_994 = vector.extract %slice3A_993[0] : i32 from vector<1xi32>
    %jit3A_995 = arith.constant 16 : i32
    %div3A_996 = arith.divsi %squeeze3A_994, %jit3A_995 : i32
    %sign3A_997 = arith.constant 0 : i32
    %sign3A_998 = arith.cmpi sgt, %squeeze3A_994, %sign3A_997 : i32
    %sign3A_999 = arith.extui %sign3A_998 : i1 to i32
    %sign3A_1000 = arith.constant 0 : i32
    %sign3A_1001 = arith.cmpi slt, %squeeze3A_994, %sign3A_1000 : i32
    %sign3A_1002 = arith.extui %sign3A_1001 : i1 to i32
    %sign3A_1003 = arith.subi %sign3A_999, %sign3A_1002 : i32
    %sign3A_1004 = arith.constant 0 : i32
    %sign3A_1005 = arith.cmpi sgt, %jit3A_995, %sign3A_1004 : i32
    %sign3A_1006 = arith.extui %sign3A_1005 : i1 to i32
    %sign3A_1007 = arith.constant 0 : i32
    %sign3A_1008 = arith.cmpi slt, %jit3A_995, %sign3A_1007 : i32
    %sign3A_1009 = arith.extui %sign3A_1008 : i1 to i32
    %sign3A_1010 = arith.subi %sign3A_1006, %sign3A_1009 : i32
    %ne3A_1011 = arith.cmpi ne, %sign3A_1003, %sign3A_1010 : i32
    %rem3A_1012 = arith.remsi %squeeze3A_994, %jit3A_995 : i32
    %ne3A_1013 = arith.constant 0 : i32
    %ne3A_1014 = arith.cmpi ne, %rem3A_1012, %ne3A_1013 : i32
    %and3A_1015 = arith.andi %ne3A_1011, %ne3A_1014 : i1
    %sub3A_1016 = arith.constant 1 : i32
    %sub3A_1017 = arith.subi %div3A_996, %sub3A_1016 : i32
    %select_n3A_1018 = arith.select %and3A_1015, %sub3A_1017, %div3A_996 : i32
    %mul3A_1019 = arith.constant 16 : i32
    %mul3A_1020 = arith.muli %select_n3A_1018, %mul3A_1019 : i32
    %dma_start3A_1021 = arith.constant 10 : i32
    %dma_start3A_1022 = arith.constant 0 : i32
    %dma_start3A_1023 = tpu.memref_slice %arg6[%dma_start3A_1021, %dma_start3A_1022] : memref<16x16xf32, #tpu.memory_space<vmem>> -> memref<1x16xf32, #tpu.memory_space<vmem>>
    %dma_start3A_1024 = tpu.memref_squeeze %dma_start3A_1023 : memref<1x16xf32, #tpu.memory_space<vmem>> -> memref<16xf32, #tpu.memory_space<vmem>>
    %dma_start3A_1025 = tpu.memref_slice %arg3[%add3A_992, %select_n3A, %mul3A_1020] : memref<32x16x2048xf32, #tpu.memory_space<hbm>> -> memref<1x1x16xf32, #tpu.memory_space<hbm>>
    %dma_start3A_1026 = tpu.memref_squeeze %dma_start3A_1025 : memref<1x1x16xf32, #tpu.memory_space<hbm>> -> memref<16xf32, #tpu.memory_space<hbm>>
    %dma_start3A_1027 = tpu.memref_slice %arg3[%add3A_992, %select_n3A, %mul3A_1020] : memref<32x16x2048xf32, #tpu.memory_space<hbm>> -> memref<1x1x16xf32, #tpu.memory_space<hbm>>
    %dma_start3A_1028 = tpu.memref_squeeze %dma_start3A_1027 : memref<1x1x16xf32, #tpu.memory_space<hbm>> -> memref<16xf32, #tpu.memory_space<hbm>>
    %dma_start3A_1029 = arith.constant 0 : i32
    %dma_start3A_1030 = tpu.memref_slice %arg6[%dma_start3A_1021, %dma_start3A_1029] : memref<16x16xf32, #tpu.memory_space<vmem>> -> memref<1x16xf32, #tpu.memory_space<vmem>>
    %dma_start3A_1031 = tpu.memref_squeeze %dma_start3A_1030 : memref<1x16xf32, #tpu.memory_space<vmem>> -> memref<16xf32, #tpu.memory_space<vmem>>
    tpu.enqueue_dma source(%dma_start3A_1031 : memref<16xf32, #tpu.memory_space<vmem>>) target(%dma_start3A_1028 : memref<16xf32, #tpu.memory_space<hbm>>) target_semaphore(%arg8 : memref<!tpu.dma_semaphore, #tpu.memory_space<semaphore_mem>>)
    %add3A_1032 = arith.constant 11 : i32
    %add3A_1033 = arith.addi %mul3A_32, %add3A_1032 : i32
    %slice3A_1034 = vector.extract_strided_slice %max3A_42 {offsets = [11], sizes = [1], strides = [1]} : vector<16xi32> to vector<1xi32>
    %squeeze3A_1035 = vector.extract %slice3A_1034[0] : i32 from vector<1xi32>
    %jit3A_1036 = arith.constant 16 : i32
    %div3A_1037 = arith.divsi %squeeze3A_1035, %jit3A_1036 : i32
    %sign3A_1038 = arith.constant 0 : i32
    %sign3A_1039 = arith.cmpi sgt, %squeeze3A_1035, %sign3A_1038 : i32
    %sign3A_1040 = arith.extui %sign3A_1039 : i1 to i32
    %sign3A_1041 = arith.constant 0 : i32
    %sign3A_1042 = arith.cmpi slt, %squeeze3A_1035, %sign3A_1041 : i32
    %sign3A_1043 = arith.extui %sign3A_1042 : i1 to i32
    %sign3A_1044 = arith.subi %sign3A_1040, %sign3A_1043 : i32
    %sign3A_1045 = arith.constant 0 : i32
    %sign3A_1046 = arith.cmpi sgt, %jit3A_1036, %sign3A_1045 : i32
    %sign3A_1047 = arith.extui %sign3A_1046 : i1 to i32
    %sign3A_1048 = arith.constant 0 : i32
    %sign3A_1049 = arith.cmpi slt, %jit3A_1036, %sign3A_1048 : i32
    %sign3A_1050 = arith.extui %sign3A_1049 : i1 to i32
    %sign3A_1051 = arith.subi %sign3A_1047, %sign3A_1050 : i32
    %ne3A_1052 = arith.cmpi ne, %sign3A_1044, %sign3A_1051 : i32
    %rem3A_1053 = arith.remsi %squeeze3A_1035, %jit3A_1036 : i32
    %ne3A_1054 = arith.constant 0 : i32
    %ne3A_1055 = arith.cmpi ne, %rem3A_1053, %ne3A_1054 : i32
    %and3A_1056 = arith.andi %ne3A_1052, %ne3A_1055 : i1
    %sub3A_1057 = arith.constant 1 : i32
    %sub3A_1058 = arith.subi %div3A_1037, %sub3A_1057 : i32
    %select_n3A_1059 = arith.select %and3A_1056, %sub3A_1058, %div3A_1037 : i32
    %mul3A_1060 = arith.constant 16 : i32
    %mul3A_1061 = arith.muli %select_n3A_1059, %mul3A_1060 : i32
    %dma_start3A_1062 = arith.constant 11 : i32
    %dma_start3A_1063 = arith.constant 0 : i32
    %dma_start3A_1064 = tpu.memref_slice %arg6[%dma_start3A_1062, %dma_start3A_1063] : memref<16x16xf32, #tpu.memory_space<vmem>> -> memref<1x16xf32, #tpu.memory_space<vmem>>
    %dma_start3A_1065 = tpu.memref_squeeze %dma_start3A_1064 : memref<1x16xf32, #tpu.memory_space<vmem>> -> memref<16xf32, #tpu.memory_space<vmem>>
    %dma_start3A_1066 = tpu.memref_slice %arg3[%add3A_1033, %select_n3A, %mul3A_1061] : memref<32x16x2048xf32, #tpu.memory_space<hbm>> -> memref<1x1x16xf32, #tpu.memory_space<hbm>>
    %dma_start3A_1067 = tpu.memref_squeeze %dma_start3A_1066 : memref<1x1x16xf32, #tpu.memory_space<hbm>> -> memref<16xf32, #tpu.memory_space<hbm>>
    %dma_start3A_1068 = tpu.memref_slice %arg3[%add3A_1033, %select_n3A, %mul3A_1061] : memref<32x16x2048xf32, #tpu.memory_space<hbm>> -> memref<1x1x16xf32, #tpu.memory_space<hbm>>
    %dma_start3A_1069 = tpu.memref_squeeze %dma_start3A_1068 : memref<1x1x16xf32, #tpu.memory_space<hbm>> -> memref<16xf32, #tpu.memory_space<hbm>>
    %dma_start3A_1070 = arith.constant 0 : i32
    %dma_start3A_1071 = tpu.memref_slice %arg6[%dma_start3A_1062, %dma_start3A_1070] : memref<16x16xf32, #tpu.memory_space<vmem>> -> memref<1x16xf32, #tpu.memory_space<vmem>>
    %dma_start3A_1072 = tpu.memref_squeeze %dma_start3A_1071 : memref<1x16xf32, #tpu.memory_space<vmem>> -> memref<16xf32, #tpu.memory_space<vmem>>
    tpu.enqueue_dma source(%dma_start3A_1072 : memref<16xf32, #tpu.memory_space<vmem>>) target(%dma_start3A_1069 : memref<16xf32, #tpu.memory_space<hbm>>) target_semaphore(%arg8 : memref<!tpu.dma_semaphore, #tpu.memory_space<semaphore_mem>>)
    %add3A_1073 = arith.constant 12 : i32
    %add3A_1074 = arith.addi %mul3A_32, %add3A_1073 : i32
    %slice3A_1075 = vector.extract_strided_slice %max3A_42 {offsets = [12], sizes = [1], strides = [1]} : vector<16xi32> to vector<1xi32>
    %squeeze3A_1076 = vector.extract %slice3A_1075[0] : i32 from vector<1xi32>
    %jit3A_1077 = arith.constant 16 : i32
    %div3A_1078 = arith.divsi %squeeze3A_1076, %jit3A_1077 : i32
    %sign3A_1079 = arith.constant 0 : i32
    %sign3A_1080 = arith.cmpi sgt, %squeeze3A_1076, %sign3A_1079 : i32
    %sign3A_1081 = arith.extui %sign3A_1080 : i1 to i32
    %sign3A_1082 = arith.constant 0 : i32
    %sign3A_1083 = arith.cmpi slt, %squeeze3A_1076, %sign3A_1082 : i32
    %sign3A_1084 = arith.extui %sign3A_1083 : i1 to i32
    %sign3A_1085 = arith.subi %sign3A_1081, %sign3A_1084 : i32
    %sign3A_1086 = arith.constant 0 : i32
    %sign3A_1087 = arith.cmpi sgt, %jit3A_1077, %sign3A_1086 : i32
    %sign3A_1088 = arith.extui %sign3A_1087 : i1 to i32
    %sign3A_1089 = arith.constant 0 : i32
    %sign3A_1090 = arith.cmpi slt, %jit3A_1077, %sign3A_1089 : i32
    %sign3A_1091 = arith.extui %sign3A_1090 : i1 to i32
    %sign3A_1092 = arith.subi %sign3A_1088, %sign3A_1091 : i32
    %ne3A_1093 = arith.cmpi ne, %sign3A_1085, %sign3A_1092 : i32
    %rem3A_1094 = arith.remsi %squeeze3A_1076, %jit3A_1077 : i32
    %ne3A_1095 = arith.constant 0 : i32
    %ne3A_1096 = arith.cmpi ne, %rem3A_1094, %ne3A_1095 : i32
    %and3A_1097 = arith.andi %ne3A_1093, %ne3A_1096 : i1
    %sub3A_1098 = arith.constant 1 : i32
    %sub3A_1099 = arith.subi %div3A_1078, %sub3A_1098 : i32
    %select_n3A_1100 = arith.select %and3A_1097, %sub3A_1099, %div3A_1078 : i32
    %mul3A_1101 = arith.constant 16 : i32
    %mul3A_1102 = arith.muli %select_n3A_1100, %mul3A_1101 : i32
    %dma_start3A_1103 = arith.constant 12 : i32
    %dma_start3A_1104 = arith.constant 0 : i32
    %dma_start3A_1105 = tpu.memref_slice %arg6[%dma_start3A_1103, %dma_start3A_1104] : memref<16x16xf32, #tpu.memory_space<vmem>> -> memref<1x16xf32, #tpu.memory_space<vmem>>
    %dma_start3A_1106 = tpu.memref_squeeze %dma_start3A_1105 : memref<1x16xf32, #tpu.memory_space<vmem>> -> memref<16xf32, #tpu.memory_space<vmem>>
    %dma_start3A_1107 = tpu.memref_slice %arg3[%add3A_1074, %select_n3A, %mul3A_1102] : memref<32x16x2048xf32, #tpu.memory_space<hbm>> -> memref<1x1x16xf32, #tpu.memory_space<hbm>>
    %dma_start3A_1108 = tpu.memref_squeeze %dma_start3A_1107 : memref<1x1x16xf32, #tpu.memory_space<hbm>> -> memref<16xf32, #tpu.memory_space<hbm>>
    %dma_start3A_1109 = tpu.memref_slice %arg3[%add3A_1074, %select_n3A, %mul3A_1102] : memref<32x16x2048xf32, #tpu.memory_space<hbm>> -> memref<1x1x16xf32, #tpu.memory_space<hbm>>
    %dma_start3A_1110 = tpu.memref_squeeze %dma_start3A_1109 : memref<1x1x16xf32, #tpu.memory_space<hbm>> -> memref<16xf32, #tpu.memory_space<hbm>>
    %dma_start3A_1111 = arith.constant 0 : i32
    %dma_start3A_1112 = tpu.memref_slice %arg6[%dma_start3A_1103, %dma_start3A_1111] : memref<16x16xf32, #tpu.memory_space<vmem>> -> memref<1x16xf32, #tpu.memory_space<vmem>>
    %dma_start3A_1113 = tpu.memref_squeeze %dma_start3A_1112 : memref<1x16xf32, #tpu.memory_space<vmem>> -> memref<16xf32, #tpu.memory_space<vmem>>
    tpu.enqueue_dma source(%dma_start3A_1113 : memref<16xf32, #tpu.memory_space<vmem>>) target(%dma_start3A_1110 : memref<16xf32, #tpu.memory_space<hbm>>) target_semaphore(%arg8 : memref<!tpu.dma_semaphore, #tpu.memory_space<semaphore_mem>>)
    %add3A_1114 = arith.constant 13 : i32
    %add3A_1115 = arith.addi %mul3A_32, %add3A_1114 : i32
    %slice3A_1116 = vector.extract_strided_slice %max3A_42 {offsets = [13], sizes = [1], strides = [1]} : vector<16xi32> to vector<1xi32>
    %squeeze3A_1117 = vector.extract %slice3A_1116[0] : i32 from vector<1xi32>
    %jit3A_1118 = arith.constant 16 : i32
    %div3A_1119 = arith.divsi %squeeze3A_1117, %jit3A_1118 : i32
    %sign3A_1120 = arith.constant 0 : i32
    %sign3A_1121 = arith.cmpi sgt, %squeeze3A_1117, %sign3A_1120 : i32
    %sign3A_1122 = arith.extui %sign3A_1121 : i1 to i32
    %sign3A_1123 = arith.constant 0 : i32
    %sign3A_1124 = arith.cmpi slt, %squeeze3A_1117, %sign3A_1123 : i32
    %sign3A_1125 = arith.extui %sign3A_1124 : i1 to i32
    %sign3A_1126 = arith.subi %sign3A_1122, %sign3A_1125 : i32
    %sign3A_1127 = arith.constant 0 : i32
    %sign3A_1128 = arith.cmpi sgt, %jit3A_1118, %sign3A_1127 : i32
    %sign3A_1129 = arith.extui %sign3A_1128 : i1 to i32
    %sign3A_1130 = arith.constant 0 : i32
    %sign3A_1131 = arith.cmpi slt, %jit3A_1118, %sign3A_1130 : i32
    %sign3A_1132 = arith.extui %sign3A_1131 : i1 to i32
    %sign3A_1133 = arith.subi %sign3A_1129, %sign3A_1132 : i32
    %ne3A_1134 = arith.cmpi ne, %sign3A_1126, %sign3A_1133 : i32
    %rem3A_1135 = arith.remsi %squeeze3A_1117, %jit3A_1118 : i32
    %ne3A_1136 = arith.constant 0 : i32
    %ne3A_1137 = arith.cmpi ne, %rem3A_1135, %ne3A_1136 : i32
    %and3A_1138 = arith.andi %ne3A_1134, %ne3A_1137 : i1
    %sub3A_1139 = arith.constant 1 : i32
    %sub3A_1140 = arith.subi %div3A_1119, %sub3A_1139 : i32
    %select_n3A_1141 = arith.select %and3A_1138, %sub3A_1140, %div3A_1119 : i32
    %mul3A_1142 = arith.constant 16 : i32
    %mul3A_1143 = arith.muli %select_n3A_1141, %mul3A_1142 : i32
    %dma_start3A_1144 = arith.constant 13 : i32
    %dma_start3A_1145 = arith.constant 0 : i32
    %dma_start3A_1146 = tpu.memref_slice %arg6[%dma_start3A_1144, %dma_start3A_1145] : memref<16x16xf32, #tpu.memory_space<vmem>> -> memref<1x16xf32, #tpu.memory_space<vmem>>
    %dma_start3A_1147 = tpu.memref_squeeze %dma_start3A_1146 : memref<1x16xf32, #tpu.memory_space<vmem>> -> memref<16xf32, #tpu.memory_space<vmem>>
    %dma_start3A_1148 = tpu.memref_slice %arg3[%add3A_1115, %select_n3A, %mul3A_1143] : memref<32x16x2048xf32, #tpu.memory_space<hbm>> -> memref<1x1x16xf32, #tpu.memory_space<hbm>>
    %dma_start3A_1149 = tpu.memref_squeeze %dma_start3A_1148 : memref<1x1x16xf32, #tpu.memory_space<hbm>> -> memref<16xf32, #tpu.memory_space<hbm>>
    %dma_start3A_1150 = tpu.memref_slice %arg3[%add3A_1115, %select_n3A, %mul3A_1143] : memref<32x16x2048xf32, #tpu.memory_space<hbm>> -> memref<1x1x16xf32, #tpu.memory_space<hbm>>
    %dma_start3A_1151 = tpu.memref_squeeze %dma_start3A_1150 : memref<1x1x16xf32, #tpu.memory_space<hbm>> -> memref<16xf32, #tpu.memory_space<hbm>>
    %dma_start3A_1152 = arith.constant 0 : i32
    %dma_start3A_1153 = tpu.memref_slice %arg6[%dma_start3A_1144, %dma_start3A_1152] : memref<16x16xf32, #tpu.memory_space<vmem>> -> memref<1x16xf32, #tpu.memory_space<vmem>>
    %dma_start3A_1154 = tpu.memref_squeeze %dma_start3A_1153 : memref<1x16xf32, #tpu.memory_space<vmem>> -> memref<16xf32, #tpu.memory_space<vmem>>
    tpu.enqueue_dma source(%dma_start3A_1154 : memref<16xf32, #tpu.memory_space<vmem>>) target(%dma_start3A_1151 : memref<16xf32, #tpu.memory_space<hbm>>) target_semaphore(%arg8 : memref<!tpu.dma_semaphore, #tpu.memory_space<semaphore_mem>>)
    %add3A_1155 = arith.constant 14 : i32
    %add3A_1156 = arith.addi %mul3A_32, %add3A_1155 : i32
    %slice3A_1157 = vector.extract_strided_slice %max3A_42 {offsets = [14], sizes = [1], strides = [1]} : vector<16xi32> to vector<1xi32>
    %squeeze3A_1158 = vector.extract %slice3A_1157[0] : i32 from vector<1xi32>
    %jit3A_1159 = arith.constant 16 : i32
    %div3A_1160 = arith.divsi %squeeze3A_1158, %jit3A_1159 : i32
    %sign3A_1161 = arith.constant 0 : i32
    %sign3A_1162 = arith.cmpi sgt, %squeeze3A_1158, %sign3A_1161 : i32
    %sign3A_1163 = arith.extui %sign3A_1162 : i1 to i32
    %sign3A_1164 = arith.constant 0 : i32
    %sign3A_1165 = arith.cmpi slt, %squeeze3A_1158, %sign3A_1164 : i32
    %sign3A_1166 = arith.extui %sign3A_1165 : i1 to i32
    %sign3A_1167 = arith.subi %sign3A_1163, %sign3A_1166 : i32
    %sign3A_1168 = arith.constant 0 : i32
    %sign3A_1169 = arith.cmpi sgt, %jit3A_1159, %sign3A_1168 : i32
    %sign3A_1170 = arith.extui %sign3A_1169 : i1 to i32
    %sign3A_1171 = arith.constant 0 : i32
    %sign3A_1172 = arith.cmpi slt, %jit3A_1159, %sign3A_1171 : i32
    %sign3A_1173 = arith.extui %sign3A_1172 : i1 to i32
    %sign3A_1174 = arith.subi %sign3A_1170, %sign3A_1173 : i32
    %ne3A_1175 = arith.cmpi ne, %sign3A_1167, %sign3A_1174 : i32
    %rem3A_1176 = arith.remsi %squeeze3A_1158, %jit3A_1159 : i32
    %ne3A_1177 = arith.constant 0 : i32
    %ne3A_1178 = arith.cmpi ne, %rem3A_1176, %ne3A_1177 : i32
    %and3A_1179 = arith.andi %ne3A_1175, %ne3A_1178 : i1
    %sub3A_1180 = arith.constant 1 : i32
    %sub3A_1181 = arith.subi %div3A_1160, %sub3A_1180 : i32
    %select_n3A_1182 = arith.select %and3A_1179, %sub3A_1181, %div3A_1160 : i32
    %mul3A_1183 = arith.constant 16 : i32
    %mul3A_1184 = arith.muli %select_n3A_1182, %mul3A_1183 : i32
    %dma_start3A_1185 = arith.constant 14 : i32
    %dma_start3A_1186 = arith.constant 0 : i32
    %dma_start3A_1187 = tpu.memref_slice %arg6[%dma_start3A_1185, %dma_start3A_1186] : memref<16x16xf32, #tpu.memory_space<vmem>> -> memref<1x16xf32, #tpu.memory_space<vmem>>
    %dma_start3A_1188 = tpu.memref_squeeze %dma_start3A_1187 : memref<1x16xf32, #tpu.memory_space<vmem>> -> memref<16xf32, #tpu.memory_space<vmem>>
    %dma_start3A_1189 = tpu.memref_slice %arg3[%add3A_1156, %select_n3A, %mul3A_1184] : memref<32x16x2048xf32, #tpu.memory_space<hbm>> -> memref<1x1x16xf32, #tpu.memory_space<hbm>>
    %dma_start3A_1190 = tpu.memref_squeeze %dma_start3A_1189 : memref<1x1x16xf32, #tpu.memory_space<hbm>> -> memref<16xf32, #tpu.memory_space<hbm>>
    %dma_start3A_1191 = tpu.memref_slice %arg3[%add3A_1156, %select_n3A, %mul3A_1184] : memref<32x16x2048xf32, #tpu.memory_space<hbm>> -> memref<1x1x16xf32, #tpu.memory_space<hbm>>
    %dma_start3A_1192 = tpu.memref_squeeze %dma_start3A_1191 : memref<1x1x16xf32, #tpu.memory_space<hbm>> -> memref<16xf32, #tpu.memory_space<hbm>>
    %dma_start3A_1193 = arith.constant 0 : i32
    %dma_start3A_1194 = tpu.memref_slice %arg6[%dma_start3A_1185, %dma_start3A_1193] : memref<16x16xf32, #tpu.memory_space<vmem>> -> memref<1x16xf32, #tpu.memory_space<vmem>>
    %dma_start3A_1195 = tpu.memref_squeeze %dma_start3A_1194 : memref<1x16xf32, #tpu.memory_space<vmem>> -> memref<16xf32, #tpu.memory_space<vmem>>
    tpu.enqueue_dma source(%dma_start3A_1195 : memref<16xf32, #tpu.memory_space<vmem>>) target(%dma_start3A_1192 : memref<16xf32, #tpu.memory_space<hbm>>) target_semaphore(%arg8 : memref<!tpu.dma_semaphore, #tpu.memory_space<semaphore_mem>>)
    %add3A_1196 = arith.constant 15 : i32
    %add3A_1197 = arith.addi %mul3A_32, %add3A_1196 : i32
    %slice3A_1198 = vector.extract_strided_slice %max3A_42 {offsets = [15], sizes = [1], strides = [1]} : vector<16xi32> to vector<1xi32>
    %squeeze3A_1199 = vector.extract %slice3A_1198[0] : i32 from vector<1xi32>
    %jit3A_1200 = arith.constant 16 : i32
    %div3A_1201 = arith.divsi %squeeze3A_1199, %jit3A_1200 : i32
    %sign3A_1202 = arith.constant 0 : i32
    %sign3A_1203 = arith.cmpi sgt, %squeeze3A_1199, %sign3A_1202 : i32
    %sign3A_1204 = arith.extui %sign3A_1203 : i1 to i32
    %sign3A_1205 = arith.constant 0 : i32
    %sign3A_1206 = arith.cmpi slt, %squeeze3A_1199, %sign3A_1205 : i32
    %sign3A_1207 = arith.extui %sign3A_1206 : i1 to i32
    %sign3A_1208 = arith.subi %sign3A_1204, %sign3A_1207 : i32
    %sign3A_1209 = arith.constant 0 : i32
    %sign3A_1210 = arith.cmpi sgt, %jit3A_1200, %sign3A_1209 : i32
    %sign3A_1211 = arith.extui %sign3A_1210 : i1 to i32
    %sign3A_1212 = arith.constant 0 : i32
    %sign3A_1213 = arith.cmpi slt, %jit3A_1200, %sign3A_1212 : i32
    %sign3A_1214 = arith.extui %sign3A_1213 : i1 to i32
    %sign3A_1215 = arith.subi %sign3A_1211, %sign3A_1214 : i32
    %ne3A_1216 = arith.cmpi ne, %sign3A_1208, %sign3A_1215 : i32
    %rem3A_1217 = arith.remsi %squeeze3A_1199, %jit3A_1200 : i32
    %ne3A_1218 = arith.constant 0 : i32
    %ne3A_1219 = arith.cmpi ne, %rem3A_1217, %ne3A_1218 : i32
    %and3A_1220 = arith.andi %ne3A_1216, %ne3A_1219 : i1
    %sub3A_1221 = arith.constant 1 : i32
    %sub3A_1222 = arith.subi %div3A_1201, %sub3A_1221 : i32
    %select_n3A_1223 = arith.select %and3A_1220, %sub3A_1222, %div3A_1201 : i32
    %mul3A_1224 = arith.constant 16 : i32
    %mul3A_1225 = arith.muli %select_n3A_1223, %mul3A_1224 : i32
    %dma_start3A_1226 = arith.constant 15 : i32
    %dma_start3A_1227 = arith.constant 0 : i32
    %dma_start3A_1228 = tpu.memref_slice %arg6[%dma_start3A_1226, %dma_start3A_1227] : memref<16x16xf32, #tpu.memory_space<vmem>> -> memref<1x16xf32, #tpu.memory_space<vmem>>
    %dma_start3A_1229 = tpu.memref_squeeze %dma_start3A_1228 : memref<1x16xf32, #tpu.memory_space<vmem>> -> memref<16xf32, #tpu.memory_space<vmem>>
    %dma_start3A_1230 = tpu.memref_slice %arg3[%add3A_1197, %select_n3A, %mul3A_1225] : memref<32x16x2048xf32, #tpu.memory_space<hbm>> -> memref<1x1x16xf32, #tpu.memory_space<hbm>>
    %dma_start3A_1231 = tpu.memref_squeeze %dma_start3A_1230 : memref<1x1x16xf32, #tpu.memory_space<hbm>> -> memref<16xf32, #tpu.memory_space<hbm>>
    %dma_start3A_1232 = tpu.memref_slice %arg3[%add3A_1197, %select_n3A, %mul3A_1225] : memref<32x16x2048xf32, #tpu.memory_space<hbm>> -> memref<1x1x16xf32, #tpu.memory_space<hbm>>
    %dma_start3A_1233 = tpu.memref_squeeze %dma_start3A_1232 : memref<1x1x16xf32, #tpu.memory_space<hbm>> -> memref<16xf32, #tpu.memory_space<hbm>>
    %dma_start3A_1234 = arith.constant 0 : i32
    %dma_start3A_1235 = tpu.memref_slice %arg6[%dma_start3A_1226, %dma_start3A_1234] : memref<16x16xf32, #tpu.memory_space<vmem>> -> memref<1x16xf32, #tpu.memory_space<vmem>>
    %dma_start3A_1236 = tpu.memref_squeeze %dma_start3A_1235 : memref<1x16xf32, #tpu.memory_space<vmem>> -> memref<16xf32, #tpu.memory_space<vmem>>
    tpu.enqueue_dma source(%dma_start3A_1236 : memref<16xf32, #tpu.memory_space<vmem>>) target(%dma_start3A_1233 : memref<16xf32, #tpu.memory_space<hbm>>) target_semaphore(%arg8 : memref<!tpu.dma_semaphore, #tpu.memory_space<semaphore_mem>>)
    %dma_wait3A_1237 = arith.constant 0 : i32
    %dma_wait3A_1238 = arith.constant 0 : i32
    %dma_wait3A_1239 = tpu.memref_slice %arg6[%dma_wait3A_1237, %dma_wait3A_1238] : memref<16x16xf32, #tpu.memory_space<vmem>> -> memref<1x16xf32, #tpu.memory_space<vmem>>
    %dma_wait3A_1240 = tpu.memref_squeeze %dma_wait3A_1239 : memref<1x16xf32, #tpu.memory_space<vmem>> -> memref<16xf32, #tpu.memory_space<vmem>>
    %dma_wait3A_1241 = tpu.memref_slice %arg3[%add3A_582, %select_n3A, %mul3A_610] : memref<32x16x2048xf32, #tpu.memory_space<hbm>> -> memref<1x1x16xf32, #tpu.memory_space<hbm>>
    %dma_wait3A_1242 = tpu.memref_squeeze %dma_wait3A_1241 : memref<1x1x16xf32, #tpu.memory_space<hbm>> -> memref<16xf32, #tpu.memory_space<hbm>>
    %dma_wait3A_1243 = tpu.memref_slice %arg3[%add3A_582, %select_n3A, %mul3A_610] : memref<32x16x2048xf32, #tpu.memory_space<hbm>> -> memref<1x1x16xf32, #tpu.memory_space<hbm>>
    %dma_wait3A_1244 = tpu.memref_squeeze %dma_wait3A_1243 : memref<1x1x16xf32, #tpu.memory_space<hbm>> -> memref<16xf32, #tpu.memory_space<hbm>>
    %dma_wait3A_1245 = arith.constant 0 : i32
    %dma_wait3A_1246 = tpu.memref_slice %arg6[%dma_wait3A_1237, %dma_wait3A_1245] : memref<16x16xf32, #tpu.memory_space<vmem>> -> memref<1x16xf32, #tpu.memory_space<vmem>>
    %dma_wait3A_1247 = tpu.memref_squeeze %dma_wait3A_1246 : memref<1x16xf32, #tpu.memory_space<vmem>> -> memref<16xf32, #tpu.memory_space<vmem>>
    tpu.wait_dma2 semaphore(%arg8 : memref<!tpu.dma_semaphore, #tpu.memory_space<semaphore_mem>>) src(%dma_wait3A_1247 : memref<16xf32, #tpu.memory_space<vmem>>) dst(%dma_wait3A_1244 : memref<16xf32, #tpu.memory_space<hbm>>)
    %dma_wait3A_1248 = arith.constant 1 : i32
    %dma_wait3A_1249 = arith.constant 0 : i32
    %dma_wait3A_1250 = tpu.memref_slice %arg6[%dma_wait3A_1248, %dma_wait3A_1249] : memref<16x16xf32, #tpu.memory_space<vmem>> -> memref<1x16xf32, #tpu.memory_space<vmem>>
    %dma_wait3A_1251 = tpu.memref_squeeze %dma_wait3A_1250 : memref<1x16xf32, #tpu.memory_space<vmem>> -> memref<16xf32, #tpu.memory_space<vmem>>
    %dma_wait3A_1252 = tpu.memref_slice %arg3[%add3A_623, %select_n3A, %mul3A_651] : memref<32x16x2048xf32, #tpu.memory_space<hbm>> -> memref<1x1x16xf32, #tpu.memory_space<hbm>>
    %dma_wait3A_1253 = tpu.memref_squeeze %dma_wait3A_1252 : memref<1x1x16xf32, #tpu.memory_space<hbm>> -> memref<16xf32, #tpu.memory_space<hbm>>
    %dma_wait3A_1254 = tpu.memref_slice %arg3[%add3A_623, %select_n3A, %mul3A_651] : memref<32x16x2048xf32, #tpu.memory_space<hbm>> -> memref<1x1x16xf32, #tpu.memory_space<hbm>>
    %dma_wait3A_1255 = tpu.memref_squeeze %dma_wait3A_1254 : memref<1x1x16xf32, #tpu.memory_space<hbm>> -> memref<16xf32, #tpu.memory_space<hbm>>
    %dma_wait3A_1256 = arith.constant 0 : i32
    %dma_wait3A_1257 = tpu.memref_slice %arg6[%dma_wait3A_1248, %dma_wait3A_1256] : memref<16x16xf32, #tpu.memory_space<vmem>> -> memref<1x16xf32, #tpu.memory_space<vmem>>
    %dma_wait3A_1258 = tpu.memref_squeeze %dma_wait3A_1257 : memref<1x16xf32, #tpu.memory_space<vmem>> -> memref<16xf32, #tpu.memory_space<vmem>>
    tpu.wait_dma2 semaphore(%arg8 : memref<!tpu.dma_semaphore, #tpu.memory_space<semaphore_mem>>) src(%dma_wait3A_1258 : memref<16xf32, #tpu.memory_space<vmem>>) dst(%dma_wait3A_1255 : memref<16xf32, #tpu.memory_space<hbm>>)
    %dma_wait3A_1259 = arith.constant 2 : i32
    %dma_wait3A_1260 = arith.constant 0 : i32
    %dma_wait3A_1261 = tpu.memref_slice %arg6[%dma_wait3A_1259, %dma_wait3A_1260] : memref<16x16xf32, #tpu.memory_space<vmem>> -> memref<1x16xf32, #tpu.memory_space<vmem>>
    %dma_wait3A_1262 = tpu.memref_squeeze %dma_wait3A_1261 : memref<1x16xf32, #tpu.memory_space<vmem>> -> memref<16xf32, #tpu.memory_space<vmem>>
    %dma_wait3A_1263 = tpu.memref_slice %arg3[%add3A_664, %select_n3A, %mul3A_692] : memref<32x16x2048xf32, #tpu.memory_space<hbm>> -> memref<1x1x16xf32, #tpu.memory_space<hbm>>
    %dma_wait3A_1264 = tpu.memref_squeeze %dma_wait3A_1263 : memref<1x1x16xf32, #tpu.memory_space<hbm>> -> memref<16xf32, #tpu.memory_space<hbm>>
    %dma_wait3A_1265 = tpu.memref_slice %arg3[%add3A_664, %select_n3A, %mul3A_692] : memref<32x16x2048xf32, #tpu.memory_space<hbm>> -> memref<1x1x16xf32, #tpu.memory_space<hbm>>
    %dma_wait3A_1266 = tpu.memref_squeeze %dma_wait3A_1265 : memref<1x1x16xf32, #tpu.memory_space<hbm>> -> memref<16xf32, #tpu.memory_space<hbm>>
    %dma_wait3A_1267 = arith.constant 0 : i32
    %dma_wait3A_1268 = tpu.memref_slice %arg6[%dma_wait3A_1259, %dma_wait3A_1267] : memref<16x16xf32, #tpu.memory_space<vmem>> -> memref<1x16xf32, #tpu.memory_space<vmem>>
    %dma_wait3A_1269 = tpu.memref_squeeze %dma_wait3A_1268 : memref<1x16xf32, #tpu.memory_space<vmem>> -> memref<16xf32, #tpu.memory_space<vmem>>
    tpu.wait_dma2 semaphore(%arg8 : memref<!tpu.dma_semaphore, #tpu.memory_space<semaphore_mem>>) src(%dma_wait3A_1269 : memref<16xf32, #tpu.memory_space<vmem>>) dst(%dma_wait3A_1266 : memref<16xf32, #tpu.memory_space<hbm>>)
    %dma_wait3A_1270 = arith.constant 3 : i32
    %dma_wait3A_1271 = arith.constant 0 : i32
    %dma_wait3A_1272 = tpu.memref_slice %arg6[%dma_wait3A_1270, %dma_wait3A_1271] : memref<16x16xf32, #tpu.memory_space<vmem>> -> memref<1x16xf32, #tpu.memory_space<vmem>>
    %dma_wait3A_1273 = tpu.memref_squeeze %dma_wait3A_1272 : memref<1x16xf32, #tpu.memory_space<vmem>> -> memref<16xf32, #tpu.memory_space<vmem>>
    %dma_wait3A_1274 = tpu.memref_slice %arg3[%add3A_705, %select_n3A, %mul3A_733] : memref<32x16x2048xf32, #tpu.memory_space<hbm>> -> memref<1x1x16xf32, #tpu.memory_space<hbm>>
    %dma_wait3A_1275 = tpu.memref_squeeze %dma_wait3A_1274 : memref<1x1x16xf32, #tpu.memory_space<hbm>> -> memref<16xf32, #tpu.memory_space<hbm>>
    %dma_wait3A_1276 = tpu.memref_slice %arg3[%add3A_705, %select_n3A, %mul3A_733] : memref<32x16x2048xf32, #tpu.memory_space<hbm>> -> memref<1x1x16xf32, #tpu.memory_space<hbm>>
    %dma_wait3A_1277 = tpu.memref_squeeze %dma_wait3A_1276 : memref<1x1x16xf32, #tpu.memory_space<hbm>> -> memref<16xf32, #tpu.memory_space<hbm>>
    %dma_wait3A_1278 = arith.constant 0 : i32
    %dma_wait3A_1279 = tpu.memref_slice %arg6[%dma_wait3A_1270, %dma_wait3A_1278] : memref<16x16xf32, #tpu.memory_space<vmem>> -> memref<1x16xf32, #tpu.memory_space<vmem>>
    %dma_wait3A_1280 = tpu.memref_squeeze %dma_wait3A_1279 : memref<1x16xf32, #tpu.memory_space<vmem>> -> memref<16xf32, #tpu.memory_space<vmem>>
    tpu.wait_dma2 semaphore(%arg8 : memref<!tpu.dma_semaphore, #tpu.memory_space<semaphore_mem>>) src(%dma_wait3A_1280 : memref<16xf32, #tpu.memory_space<vmem>>) dst(%dma_wait3A_1277 : memref<16xf32, #tpu.memory_space<hbm>>)
    %dma_wait3A_1281 = arith.constant 4 : i32
    %dma_wait3A_1282 = arith.constant 0 : i32
    %dma_wait3A_1283 = tpu.memref_slice %arg6[%dma_wait3A_1281, %dma_wait3A_1282] : memref<16x16xf32, #tpu.memory_space<vmem>> -> memref<1x16xf32, #tpu.memory_space<vmem>>
    %dma_wait3A_1284 = tpu.memref_squeeze %dma_wait3A_1283 : memref<1x16xf32, #tpu.memory_space<vmem>> -> memref<16xf32, #tpu.memory_space<vmem>>
    %dma_wait3A_1285 = tpu.memref_slice %arg3[%add3A_746, %select_n3A, %mul3A_774] : memref<32x16x2048xf32, #tpu.memory_space<hbm>> -> memref<1x1x16xf32, #tpu.memory_space<hbm>>
    %dma_wait3A_1286 = tpu.memref_squeeze %dma_wait3A_1285 : memref<1x1x16xf32, #tpu.memory_space<hbm>> -> memref<16xf32, #tpu.memory_space<hbm>>
    %dma_wait3A_1287 = tpu.memref_slice %arg3[%add3A_746, %select_n3A, %mul3A_774] : memref<32x16x2048xf32, #tpu.memory_space<hbm>> -> memref<1x1x16xf32, #tpu.memory_space<hbm>>
    %dma_wait3A_1288 = tpu.memref_squeeze %dma_wait3A_1287 : memref<1x1x16xf32, #tpu.memory_space<hbm>> -> memref<16xf32, #tpu.memory_space<hbm>>
    %dma_wait3A_1289 = arith.constant 0 : i32
    %dma_wait3A_1290 = tpu.memref_slice %arg6[%dma_wait3A_1281, %dma_wait3A_1289] : memref<16x16xf32, #tpu.memory_space<vmem>> -> memref<1x16xf32, #tpu.memory_space<vmem>>
    %dma_wait3A_1291 = tpu.memref_squeeze %dma_wait3A_1290 : memref<1x16xf32, #tpu.memory_space<vmem>> -> memref<16xf32, #tpu.memory_space<vmem>>
    tpu.wait_dma2 semaphore(%arg8 : memref<!tpu.dma_semaphore, #tpu.memory_space<semaphore_mem>>) src(%dma_wait3A_1291 : memref<16xf32, #tpu.memory_space<vmem>>) dst(%dma_wait3A_1288 : memref<16xf32, #tpu.memory_space<hbm>>)
    %dma_wait3A_1292 = arith.constant 5 : i32
    %dma_wait3A_1293 = arith.constant 0 : i32
    %dma_wait3A_1294 = tpu.memref_slice %arg6[%dma_wait3A_1292, %dma_wait3A_1293] : memref<16x16xf32, #tpu.memory_space<vmem>> -> memref<1x16xf32, #tpu.memory_space<vmem>>
    %dma_wait3A_1295 = tpu.memref_squeeze %dma_wait3A_1294 : memref<1x16xf32, #tpu.memory_space<vmem>> -> memref<16xf32, #tpu.memory_space<vmem>>
    %dma_wait3A_1296 = tpu.memref_slice %arg3[%add3A_787, %select_n3A, %mul3A_815] : memref<32x16x2048xf32, #tpu.memory_space<hbm>> -> memref<1x1x16xf32, #tpu.memory_space<hbm>>
    %dma_wait3A_1297 = tpu.memref_squeeze %dma_wait3A_1296 : memref<1x1x16xf32, #tpu.memory_space<hbm>> -> memref<16xf32, #tpu.memory_space<hbm>>
    %dma_wait3A_1298 = tpu.memref_slice %arg3[%add3A_787, %select_n3A, %mul3A_815] : memref<32x16x2048xf32, #tpu.memory_space<hbm>> -> memref<1x1x16xf32, #tpu.memory_space<hbm>>
    %dma_wait3A_1299 = tpu.memref_squeeze %dma_wait3A_1298 : memref<1x1x16xf32, #tpu.memory_space<hbm>> -> memref<16xf32, #tpu.memory_space<hbm>>
    %dma_wait3A_1300 = arith.constant 0 : i32
    %dma_wait3A_1301 = tpu.memref_slice %arg6[%dma_wait3A_1292, %dma_wait3A_1300] : memref<16x16xf32, #tpu.memory_space<vmem>> -> memref<1x16xf32, #tpu.memory_space<vmem>>
    %dma_wait3A_1302 = tpu.memref_squeeze %dma_wait3A_1301 : memref<1x16xf32, #tpu.memory_space<vmem>> -> memref<16xf32, #tpu.memory_space<vmem>>
    tpu.wait_dma2 semaphore(%arg8 : memref<!tpu.dma_semaphore, #tpu.memory_space<semaphore_mem>>) src(%dma_wait3A_1302 : memref<16xf32, #tpu.memory_space<vmem>>) dst(%dma_wait3A_1299 : memref<16xf32, #tpu.memory_space<hbm>>)
    %dma_wait3A_1303 = arith.constant 6 : i32
    %dma_wait3A_1304 = arith.constant 0 : i32
    %dma_wait3A_1305 = tpu.memref_slice %arg6[%dma_wait3A_1303, %dma_wait3A_1304] : memref<16x16xf32, #tpu.memory_space<vmem>> -> memref<1x16xf32, #tpu.memory_space<vmem>>
    %dma_wait3A_1306 = tpu.memref_squeeze %dma_wait3A_1305 : memref<1x16xf32, #tpu.memory_space<vmem>> -> memref<16xf32, #tpu.memory_space<vmem>>
    %dma_wait3A_1307 = tpu.memref_slice %arg3[%add3A_828, %select_n3A, %mul3A_856] : memref<32x16x2048xf32, #tpu.memory_space<hbm>> -> memref<1x1x16xf32, #tpu.memory_space<hbm>>
    %dma_wait3A_1308 = tpu.memref_squeeze %dma_wait3A_1307 : memref<1x1x16xf32, #tpu.memory_space<hbm>> -> memref<16xf32, #tpu.memory_space<hbm>>
    %dma_wait3A_1309 = tpu.memref_slice %arg3[%add3A_828, %select_n3A, %mul3A_856] : memref<32x16x2048xf32, #tpu.memory_space<hbm>> -> memref<1x1x16xf32, #tpu.memory_space<hbm>>
    %dma_wait3A_1310 = tpu.memref_squeeze %dma_wait3A_1309 : memref<1x1x16xf32, #tpu.memory_space<hbm>> -> memref<16xf32, #tpu.memory_space<hbm>>
    %dma_wait3A_1311 = arith.constant 0 : i32
    %dma_wait3A_1312 = tpu.memref_slice %arg6[%dma_wait3A_1303, %dma_wait3A_1311] : memref<16x16xf32, #tpu.memory_space<vmem>> -> memref<1x16xf32, #tpu.memory_space<vmem>>
    %dma_wait3A_1313 = tpu.memref_squeeze %dma_wait3A_1312 : memref<1x16xf32, #tpu.memory_space<vmem>> -> memref<16xf32, #tpu.memory_space<vmem>>
    tpu.wait_dma2 semaphore(%arg8 : memref<!tpu.dma_semaphore, #tpu.memory_space<semaphore_mem>>) src(%dma_wait3A_1313 : memref<16xf32, #tpu.memory_space<vmem>>) dst(%dma_wait3A_1310 : memref<16xf32, #tpu.memory_space<hbm>>)
    %dma_wait3A_1314 = arith.constant 7 : i32
    %dma_wait3A_1315 = arith.constant 0 : i32
    %dma_wait3A_1316 = tpu.memref_slice %arg6[%dma_wait3A_1314, %dma_wait3A_1315] : memref<16x16xf32, #tpu.memory_space<vmem>> -> memref<1x16xf32, #tpu.memory_space<vmem>>
    %dma_wait3A_1317 = tpu.memref_squeeze %dma_wait3A_1316 : memref<1x16xf32, #tpu.memory_space<vmem>> -> memref<16xf32, #tpu.memory_space<vmem>>
    %dma_wait3A_1318 = tpu.memref_slice %arg3[%add3A_869, %select_n3A, %mul3A_897] : memref<32x16x2048xf32, #tpu.memory_space<hbm>> -> memref<1x1x16xf32, #tpu.memory_space<hbm>>
    %dma_wait3A_1319 = tpu.memref_squeeze %dma_wait3A_1318 : memref<1x1x16xf32, #tpu.memory_space<hbm>> -> memref<16xf32, #tpu.memory_space<hbm>>
    %dma_wait3A_1320 = tpu.memref_slice %arg3[%add3A_869, %select_n3A, %mul3A_897] : memref<32x16x2048xf32, #tpu.memory_space<hbm>> -> memref<1x1x16xf32, #tpu.memory_space<hbm>>
    %dma_wait3A_1321 = tpu.memref_squeeze %dma_wait3A_1320 : memref<1x1x16xf32, #tpu.memory_space<hbm>> -> memref<16xf32, #tpu.memory_space<hbm>>
    %dma_wait3A_1322 = arith.constant 0 : i32
    %dma_wait3A_1323 = tpu.memref_slice %arg6[%dma_wait3A_1314, %dma_wait3A_1322] : memref<16x16xf32, #tpu.memory_space<vmem>> -> memref<1x16xf32, #tpu.memory_space<vmem>>
    %dma_wait3A_1324 = tpu.memref_squeeze %dma_wait3A_1323 : memref<1x16xf32, #tpu.memory_space<vmem>> -> memref<16xf32, #tpu.memory_space<vmem>>
    tpu.wait_dma2 semaphore(%arg8 : memref<!tpu.dma_semaphore, #tpu.memory_space<semaphore_mem>>) src(%dma_wait3A_1324 : memref<16xf32, #tpu.memory_space<vmem>>) dst(%dma_wait3A_1321 : memref<16xf32, #tpu.memory_space<hbm>>)
    %dma_wait3A_1325 = arith.constant 8 : i32
    %dma_wait3A_1326 = arith.constant 0 : i32
    %dma_wait3A_1327 = tpu.memref_slice %arg6[%dma_wait3A_1325, %dma_wait3A_1326] : memref<16x16xf32, #tpu.memory_space<vmem>> -> memref<1x16xf32, #tpu.memory_space<vmem>>
    %dma_wait3A_1328 = tpu.memref_squeeze %dma_wait3A_1327 : memref<1x16xf32, #tpu.memory_space<vmem>> -> memref<16xf32, #tpu.memory_space<vmem>>
    %dma_wait3A_1329 = tpu.memref_slice %arg3[%add3A_910, %select_n3A, %mul3A_938] : memref<32x16x2048xf32, #tpu.memory_space<hbm>> -> memref<1x1x16xf32, #tpu.memory_space<hbm>>
    %dma_wait3A_1330 = tpu.memref_squeeze %dma_wait3A_1329 : memref<1x1x16xf32, #tpu.memory_space<hbm>> -> memref<16xf32, #tpu.memory_space<hbm>>
    %dma_wait3A_1331 = tpu.memref_slice %arg3[%add3A_910, %select_n3A, %mul3A_938] : memref<32x16x2048xf32, #tpu.memory_space<hbm>> -> memref<1x1x16xf32, #tpu.memory_space<hbm>>
    %dma_wait3A_1332 = tpu.memref_squeeze %dma_wait3A_1331 : memref<1x1x16xf32, #tpu.memory_space<hbm>> -> memref<16xf32, #tpu.memory_space<hbm>>
    %dma_wait3A_1333 = arith.constant 0 : i32
    %dma_wait3A_1334 = tpu.memref_slice %arg6[%dma_wait3A_1325, %dma_wait3A_1333] : memref<16x16xf32, #tpu.memory_space<vmem>> -> memref<1x16xf32, #tpu.memory_space<vmem>>
    %dma_wait3A_1335 = tpu.memref_squeeze %dma_wait3A_1334 : memref<1x16xf32, #tpu.memory_space<vmem>> -> memref<16xf32, #tpu.memory_space<vmem>>
    tpu.wait_dma2 semaphore(%arg8 : memref<!tpu.dma_semaphore, #tpu.memory_space<semaphore_mem>>) src(%dma_wait3A_1335 : memref<16xf32, #tpu.memory_space<vmem>>) dst(%dma_wait3A_1332 : memref<16xf32, #tpu.memory_space<hbm>>)
    %dma_wait3A_1336 = arith.constant 9 : i32
    %dma_wait3A_1337 = arith.constant 0 : i32
    %dma_wait3A_1338 = tpu.memref_slice %arg6[%dma_wait3A_1336, %dma_wait3A_1337] : memref<16x16xf32, #tpu.memory_space<vmem>> -> memref<1x16xf32, #tpu.memory_space<vmem>>
    %dma_wait3A_1339 = tpu.memref_squeeze %dma_wait3A_1338 : memref<1x16xf32, #tpu.memory_space<vmem>> -> memref<16xf32, #tpu.memory_space<vmem>>
    %dma_wait3A_1340 = tpu.memref_slice %arg3[%add3A_951, %select_n3A, %mul3A_979] : memref<32x16x2048xf32, #tpu.memory_space<hbm>> -> memref<1x1x16xf32, #tpu.memory_space<hbm>>
    %dma_wait3A_1341 = tpu.memref_squeeze %dma_wait3A_1340 : memref<1x1x16xf32, #tpu.memory_space<hbm>> -> memref<16xf32, #tpu.memory_space<hbm>>
    %dma_wait3A_1342 = tpu.memref_slice %arg3[%add3A_951, %select_n3A, %mul3A_979] : memref<32x16x2048xf32, #tpu.memory_space<hbm>> -> memref<1x1x16xf32, #tpu.memory_space<hbm>>
    %dma_wait3A_1343 = tpu.memref_squeeze %dma_wait3A_1342 : memref<1x1x16xf32, #tpu.memory_space<hbm>> -> memref<16xf32, #tpu.memory_space<hbm>>
    %dma_wait3A_1344 = arith.constant 0 : i32
    %dma_wait3A_1345 = tpu.memref_slice %arg6[%dma_wait3A_1336, %dma_wait3A_1344] : memref<16x16xf32, #tpu.memory_space<vmem>> -> memref<1x16xf32, #tpu.memory_space<vmem>>
    %dma_wait3A_1346 = tpu.memref_squeeze %dma_wait3A_1345 : memref<1x16xf32, #tpu.memory_space<vmem>> -> memref<16xf32, #tpu.memory_space<vmem>>
    tpu.wait_dma2 semaphore(%arg8 : memref<!tpu.dma_semaphore, #tpu.memory_space<semaphore_mem>>) src(%dma_wait3A_1346 : memref<16xf32, #tpu.memory_space<vmem>>) dst(%dma_wait3A_1343 : memref<16xf32, #tpu.memory_space<hbm>>)
    %dma_wait3A_1347 = arith.constant 10 : i32
    %dma_wait3A_1348 = arith.constant 0 : i32
    %dma_wait3A_1349 = tpu.memref_slice %arg6[%dma_wait3A_1347, %dma_wait3A_1348] : memref<16x16xf32, #tpu.memory_space<vmem>> -> memref<1x16xf32, #tpu.memory_space<vmem>>
    %dma_wait3A_1350 = tpu.memref_squeeze %dma_wait3A_1349 : memref<1x16xf32, #tpu.memory_space<vmem>> -> memref<16xf32, #tpu.memory_space<vmem>>
    %dma_wait3A_1351 = tpu.memref_slice %arg3[%add3A_992, %select_n3A, %mul3A_1020] : memref<32x16x2048xf32, #tpu.memory_space<hbm>> -> memref<1x1x16xf32, #tpu.memory_space<hbm>>
    %dma_wait3A_1352 = tpu.memref_squeeze %dma_wait3A_1351 : memref<1x1x16xf32, #tpu.memory_space<hbm>> -> memref<16xf32, #tpu.memory_space<hbm>>
    %dma_wait3A_1353 = tpu.memref_slice %arg3[%add3A_992, %select_n3A, %mul3A_1020] : memref<32x16x2048xf32, #tpu.memory_space<hbm>> -> memref<1x1x16xf32, #tpu.memory_space<hbm>>
    %dma_wait3A_1354 = tpu.memref_squeeze %dma_wait3A_1353 : memref<1x1x16xf32, #tpu.memory_space<hbm>> -> memref<16xf32, #tpu.memory_space<hbm>>
    %dma_wait3A_1355 = arith.constant 0 : i32
    %dma_wait3A_1356 = tpu.memref_slice %arg6[%dma_wait3A_1347, %dma_wait3A_1355] : memref<16x16xf32, #tpu.memory_space<vmem>> -> memref<1x16xf32, #tpu.memory_space<vmem>>
    %dma_wait3A_1357 = tpu.memref_squeeze %dma_wait3A_1356 : memref<1x16xf32, #tpu.memory_space<vmem>> -> memref<16xf32, #tpu.memory_space<vmem>>
    tpu.wait_dma2 semaphore(%arg8 : memref<!tpu.dma_semaphore, #tpu.memory_space<semaphore_mem>>) src(%dma_wait3A_1357 : memref<16xf32, #tpu.memory_space<vmem>>) dst(%dma_wait3A_1354 : memref<16xf32, #tpu.memory_space<hbm>>)
    %dma_wait3A_1358 = arith.constant 11 : i32
    %dma_wait3A_1359 = arith.constant 0 : i32
    %dma_wait3A_1360 = tpu.memref_slice %arg6[%dma_wait3A_1358, %dma_wait3A_1359] : memref<16x16xf32, #tpu.memory_space<vmem>> -> memref<1x16xf32, #tpu.memory_space<vmem>>
    %dma_wait3A_1361 = tpu.memref_squeeze %dma_wait3A_1360 : memref<1x16xf32, #tpu.memory_space<vmem>> -> memref<16xf32, #tpu.memory_space<vmem>>
    %dma_wait3A_1362 = tpu.memref_slice %arg3[%add3A_1033, %select_n3A, %mul3A_1061] : memref<32x16x2048xf32, #tpu.memory_space<hbm>> -> memref<1x1x16xf32, #tpu.memory_space<hbm>>
    %dma_wait3A_1363 = tpu.memref_squeeze %dma_wait3A_1362 : memref<1x1x16xf32, #tpu.memory_space<hbm>> -> memref<16xf32, #tpu.memory_space<hbm>>
    %dma_wait3A_1364 = tpu.memref_slice %arg3[%add3A_1033, %select_n3A, %mul3A_1061] : memref<32x16x2048xf32, #tpu.memory_space<hbm>> -> memref<1x1x16xf32, #tpu.memory_space<hbm>>
    %dma_wait3A_1365 = tpu.memref_squeeze %dma_wait3A_1364 : memref<1x1x16xf32, #tpu.memory_space<hbm>> -> memref<16xf32, #tpu.memory_space<hbm>>
    %dma_wait3A_1366 = arith.constant 0 : i32
    %dma_wait3A_1367 = tpu.memref_slice %arg6[%dma_wait3A_1358, %dma_wait3A_1366] : memref<16x16xf32, #tpu.memory_space<vmem>> -> memref<1x16xf32, #tpu.memory_space<vmem>>
    %dma_wait3A_1368 = tpu.memref_squeeze %dma_wait3A_1367 : memref<1x16xf32, #tpu.memory_space<vmem>> -> memref<16xf32, #tpu.memory_space<vmem>>
    tpu.wait_dma2 semaphore(%arg8 : memref<!tpu.dma_semaphore, #tpu.memory_space<semaphore_mem>>) src(%dma_wait3A_1368 : memref<16xf32, #tpu.memory_space<vmem>>) dst(%dma_wait3A_1365 : memref<16xf32, #tpu.memory_space<hbm>>)
    %dma_wait3A_1369 = arith.constant 12 : i32
    %dma_wait3A_1370 = arith.constant 0 : i32
    %dma_wait3A_1371 = tpu.memref_slice %arg6[%dma_wait3A_1369, %dma_wait3A_1370] : memref<16x16xf32, #tpu.memory_space<vmem>> -> memref<1x16xf32, #tpu.memory_space<vmem>>
    %dma_wait3A_1372 = tpu.memref_squeeze %dma_wait3A_1371 : memref<1x16xf32, #tpu.memory_space<vmem>> -> memref<16xf32, #tpu.memory_space<vmem>>
    %dma_wait3A_1373 = tpu.memref_slice %arg3[%add3A_1074, %select_n3A, %mul3A_1102] : memref<32x16x2048xf32, #tpu.memory_space<hbm>> -> memref<1x1x16xf32, #tpu.memory_space<hbm>>
    %dma_wait3A_1374 = tpu.memref_squeeze %dma_wait3A_1373 : memref<1x1x16xf32, #tpu.memory_space<hbm>> -> memref<16xf32, #tpu.memory_space<hbm>>
    %dma_wait3A_1375 = tpu.memref_slice %arg3[%add3A_1074, %select_n3A, %mul3A_1102] : memref<32x16x2048xf32, #tpu.memory_space<hbm>> -> memref<1x1x16xf32, #tpu.memory_space<hbm>>
    %dma_wait3A_1376 = tpu.memref_squeeze %dma_wait3A_1375 : memref<1x1x16xf32, #tpu.memory_space<hbm>> -> memref<16xf32, #tpu.memory_space<hbm>>
    %dma_wait3A_1377 = arith.constant 0 : i32
    %dma_wait3A_1378 = tpu.memref_slice %arg6[%dma_wait3A_1369, %dma_wait3A_1377] : memref<16x16xf32, #tpu.memory_space<vmem>> -> memref<1x16xf32, #tpu.memory_space<vmem>>
    %dma_wait3A_1379 = tpu.memref_squeeze %dma_wait3A_1378 : memref<1x16xf32, #tpu.memory_space<vmem>> -> memref<16xf32, #tpu.memory_space<vmem>>
    tpu.wait_dma2 semaphore(%arg8 : memref<!tpu.dma_semaphore, #tpu.memory_space<semaphore_mem>>) src(%dma_wait3A_1379 : memref<16xf32, #tpu.memory_space<vmem>>) dst(%dma_wait3A_1376 : memref<16xf32, #tpu.memory_space<hbm>>)
    %dma_wait3A_1380 = arith.constant 13 : i32
    %dma_wait3A_1381 = arith.constant 0 : i32
    %dma_wait3A_1382 = tpu.memref_slice %arg6[%dma_wait3A_1380, %dma_wait3A_1381] : memref<16x16xf32, #tpu.memory_space<vmem>> -> memref<1x16xf32, #tpu.memory_space<vmem>>
    %dma_wait3A_1383 = tpu.memref_squeeze %dma_wait3A_1382 : memref<1x16xf32, #tpu.memory_space<vmem>> -> memref<16xf32, #tpu.memory_space<vmem>>
    %dma_wait3A_1384 = tpu.memref_slice %arg3[%add3A_1115, %select_n3A, %mul3A_1143] : memref<32x16x2048xf32, #tpu.memory_space<hbm>> -> memref<1x1x16xf32, #tpu.memory_space<hbm>>
    %dma_wait3A_1385 = tpu.memref_squeeze %dma_wait3A_1384 : memref<1x1x16xf32, #tpu.memory_space<hbm>> -> memref<16xf32, #tpu.memory_space<hbm>>
    %dma_wait3A_1386 = tpu.memref_slice %arg3[%add3A_1115, %select_n3A, %mul3A_1143] : memref<32x16x2048xf32, #tpu.memory_space<hbm>> -> memref<1x1x16xf32, #tpu.memory_space<hbm>>
    %dma_wait3A_1387 = tpu.memref_squeeze %dma_wait3A_1386 : memref<1x1x16xf32, #tpu.memory_space<hbm>> -> memref<16xf32, #tpu.memory_space<hbm>>
    %dma_wait3A_1388 = arith.constant 0 : i32
    %dma_wait3A_1389 = tpu.memref_slice %arg6[%dma_wait3A_1380, %dma_wait3A_1388] : memref<16x16xf32, #tpu.memory_space<vmem>> -> memref<1x16xf32, #tpu.memory_space<vmem>>
    %dma_wait3A_1390 = tpu.memref_squeeze %dma_wait3A_1389 : memref<1x16xf32, #tpu.memory_space<vmem>> -> memref<16xf32, #tpu.memory_space<vmem>>
    tpu.wait_dma2 semaphore(%arg8 : memref<!tpu.dma_semaphore, #tpu.memory_space<semaphore_mem>>) src(%dma_wait3A_1390 : memref<16xf32, #tpu.memory_space<vmem>>) dst(%dma_wait3A_1387 : memref<16xf32, #tpu.memory_space<hbm>>)
    %dma_wait3A_1391 = arith.constant 14 : i32
    %dma_wait3A_1392 = arith.constant 0 : i32
    %dma_wait3A_1393 = tpu.memref_slice %arg6[%dma_wait3A_1391, %dma_wait3A_1392] : memref<16x16xf32, #tpu.memory_space<vmem>> -> memref<1x16xf32, #tpu.memory_space<vmem>>
    %dma_wait3A_1394 = tpu.memref_squeeze %dma_wait3A_1393 : memref<1x16xf32, #tpu.memory_space<vmem>> -> memref<16xf32, #tpu.memory_space<vmem>>
    %dma_wait3A_1395 = tpu.memref_slice %arg3[%add3A_1156, %select_n3A, %mul3A_1184] : memref<32x16x2048xf32, #tpu.memory_space<hbm>> -> memref<1x1x16xf32, #tpu.memory_space<hbm>>
    %dma_wait3A_1396 = tpu.memref_squeeze %dma_wait3A_1395 : memref<1x1x16xf32, #tpu.memory_space<hbm>> -> memref<16xf32, #tpu.memory_space<hbm>>
    %dma_wait3A_1397 = tpu.memref_slice %arg3[%add3A_1156, %select_n3A, %mul3A_1184] : memref<32x16x2048xf32, #tpu.memory_space<hbm>> -> memref<1x1x16xf32, #tpu.memory_space<hbm>>
    %dma_wait3A_1398 = tpu.memref_squeeze %dma_wait3A_1397 : memref<1x1x16xf32, #tpu.memory_space<hbm>> -> memref<16xf32, #tpu.memory_space<hbm>>
    %dma_wait3A_1399 = arith.constant 0 : i32
    %dma_wait3A_1400 = tpu.memref_slice %arg6[%dma_wait3A_1391, %dma_wait3A_1399] : memref<16x16xf32, #tpu.memory_space<vmem>> -> memref<1x16xf32, #tpu.memory_space<vmem>>
    %dma_wait3A_1401 = tpu.memref_squeeze %dma_wait3A_1400 : memref<1x16xf32, #tpu.memory_space<vmem>> -> memref<16xf32, #tpu.memory_space<vmem>>
    tpu.wait_dma2 semaphore(%arg8 : memref<!tpu.dma_semaphore, #tpu.memory_space<semaphore_mem>>) src(%dma_wait3A_1401 : memref<16xf32, #tpu.memory_space<vmem>>) dst(%dma_wait3A_1398 : memref<16xf32, #tpu.memory_space<hbm>>)
    %dma_wait3A_1402 = arith.constant 15 : i32
    %dma_wait3A_1403 = arith.constant 0 : i32
    %dma_wait3A_1404 = tpu.memref_slice %arg6[%dma_wait3A_1402, %dma_wait3A_1403] : memref<16x16xf32, #tpu.memory_space<vmem>> -> memref<1x16xf32, #tpu.memory_space<vmem>>
    %dma_wait3A_1405 = tpu.memref_squeeze %dma_wait3A_1404 : memref<1x16xf32, #tpu.memory_space<vmem>> -> memref<16xf32, #tpu.memory_space<vmem>>
    %dma_wait3A_1406 = tpu.memref_slice %arg3[%add3A_1197, %select_n3A, %mul3A_1225] : memref<32x16x2048xf32, #tpu.memory_space<hbm>> -> memref<1x1x16xf32, #tpu.memory_space<hbm>>
    %dma_wait3A_1407 = tpu.memref_squeeze %dma_wait3A_1406 : memref<1x1x16xf32, #tpu.memory_space<hbm>> -> memref<16xf32, #tpu.memory_space<hbm>>
    %dma_wait3A_1408 = tpu.memref_slice %arg3[%add3A_1197, %select_n3A, %mul3A_1225] : memref<32x16x2048xf32, #tpu.memory_space<hbm>> -> memref<1x1x16xf32, #tpu.memory_space<hbm>>
    %dma_wait3A_1409 = tpu.memref_squeeze %dma_wait3A_1408 : memref<1x1x16xf32, #tpu.memory_space<hbm>> -> memref<16xf32, #tpu.memory_space<hbm>>
    %dma_wait3A_1410 = arith.constant 0 : i32
    %dma_wait3A_1411 = tpu.memref_slice %arg6[%dma_wait3A_1402, %dma_wait3A_1410] : memref<16x16xf32, #tpu.memory_space<vmem>> -> memref<1x16xf32, #tpu.memory_space<vmem>>
    %dma_wait3A_1412 = tpu.memref_squeeze %dma_wait3A_1411 : memref<1x16xf32, #tpu.memory_space<vmem>> -> memref<16xf32, #tpu.memory_space<vmem>>
    tpu.wait_dma2 semaphore(%arg8 : memref<!tpu.dma_semaphore, #tpu.memory_space<semaphore_mem>>) src(%dma_wait3A_1412 : memref<16xf32, #tpu.memory_space<vmem>>) dst(%dma_wait3A_1409 : memref<16xf32, #tpu.memory_space<hbm>>)
    return
  }
}

</mosaic_0001>

<sc_bundles>
// kernel: kernel.3.cloned.1.call-start
scs
__scs_entry_jumppad:
0x0: {  	(pc) =	sbr.rel $0x88, $3  }
0x1: {  	(tag) =	ssettag $0x0;
	lr =	simm.s32 $0x1  }
0x2: {  	[smem:$0x3FA0] =	sst lr;
	_ =	strace $0xD0000000  }
0x3: {  	_ = 	snop  }
0x4: {  	_ = 	snop  }
0x5: {  	_ = 	snop  }
0x6: {  	_ = 	snop  }
0x7: {  	_ = 	snop  }
__scs_overlays_trampoline_lowered:
0x8: {  	[smem:$0x3FAF] =	sst s0  }
0x9: {  	[smem:$0x3FB0] =	sst s1  }
0xa: {  	[smem:$0x3FB1] =	sst s2  }
0xb: {  	[smem:$0x3FB2] =	sst s3  }
0xc: {  	[smem:$0x3FB3] =	sst s4  }
0xd: {  	[smem:$0x3FB4] =	sst s5  }
0xe: {  	[smem:$0x3FB5] =	sst s6  }
0xf: {  	[smem:$0x3FB6] =	sst s7  }
0x10: {  	[smem:$0x3FB7] =	sst s8  }
0x11: {  	[smem:$0x3FB8] =	sst s9;
	s0 =	simm.s32 @!p0 $0x0  }
0x12: {  	s1 =	sld [smem:$0x3F9E];
	s0 =	simm.s32 @p0 $0x1  }
0x13: {  	[smem:$0x3FB9] =	sst s0;
	s0 =	simm.s32 @!p1 $0x0  }
0x14: {  	s2 =	sld [smem:$0x3F9D];
	s0 =	simm.s32 @p1 $0x1  }
0x15: {  	[smem:$0x3FBA] =	sst s0;
	s0 =	simm.s32 @!p2 $0x0  }
0x16: {  	s3 =	sld [smem:$0x3FDB];
	s0 =	simm.s32 @p2 $0x1  }
0x17: {  	s4 =	simm.s32 $0x1BF5;
	[smem:$0x3FBC] =	sst s0  }
0x18: {  	s0 =	sld [smem:$0x3F9F];
	_ =	swait.ge [sflag:s4], $0x0  }
0x19: {  	s7 =	sld [smem:$0x3FA0]  }
0x1a: {  	s8 =	sadd.s32 $0xFFFFE003, lr  }
0x1b: {  	s9 =	sadd.s32 $0xFFFFFEF7, lr;
	s5 =	simm.s32 $0xFFFFFFFF;
	p2 =	slt.u32 s8, $0xFFFFF086  }
0x1c: {  	p1 =	slt.u32 s9, $0xF7A;
	s5 =	simm.s32 @!p2 $0x0  }
0x1d: {  	s5 =	simm.s32 @p1 $0x1;
	p0 =	seq.s32 s7, s2  }
0x1e: {  	s7 =	smul.u32 @!p0 $0xF7A, s2;
	p2 =	seq.s32 @!p0 s5, $0x0  }
0x1f: {  	s9 =	smul.u32 $0xF7A, s1;
	s8 =	simm.s32 @!p0 $0x1BF5;
	p2 =	por !p2, p0  }
0x20: {  	[sflag:s8] =	ssyncset.s32 @!p0 $0xFFFFF086;
	s6 =	sadd.s32 @!p0 s3, s7;
	s7 =	simm.s32 @!p0 $0x108  }
0x21: {  	s3 =	sadd.s32 s3, s9;
	s6 =	sadd.s32 @!p0 $0x88, s6;
	s7 =	simm.s32 @p2 $0x1082  }
0x22: {  	[simem:s7], [sflag:s8] =	dma.local @!p0 [hbm:s6], $0xF7A  }
0x23: {  	s9 =	sor.u32 $0xD0000000, s2;
	s6 =	simm.s32 $0x108;
	_ =	swait.ge @!p0 [sflag:s8], $0x0  }
0x24: {  	s3 =	sadd.s32 $0x88, s3;
	s6 =	simm.s32 @!p1 $0x1082;
	[sflag:s4] =	ssyncset.s32 $0xFFFFF086  }
0x25: {  	[simem:s6], [sflag:s4] =	dma.local [hbm:s3], $0xF7A  }
0x26: {  	[smem:$0x3FA0] =	sst s1;
	(tag) =	ssettag s2;
	_ =	strace s9  }
0x27: {  	s1 =	sld [smem:$0x3FB0]  }
0x28: {  	s2 =	sld [smem:$0x3FB1]  }
0x29: {  	s4 =	sld [smem:$0x3FB3]  }
0x2a: {  	p0 =	seq.s32 s5, $0x0;
	s5 =	sld [smem:$0x3FB4]  }
0x2b: {  	s6 =	sld [smem:$0x3FB5]  }
0x2c: {  	s7 =	sld [smem:$0x3FB6]  }
0x2d: {  	s3 =	simm.s32 $0x108;
	s8 =	sld [smem:$0x3FB7]  }
0x2e: {  	s3 =	simm.s32 @!p0 $0x1082;
	s9 =	sld [smem:$0x3FB8]  }
0x2f: {  	lr =	sadd.s32 s0, s3;
	s0 =	sld [smem:$0x3FAF]  }
0x30: {  	s3 =	sld [smem:$0x3FB2]  }
0x31: {  	[smem:$0x3FBB] =	sst s10  }
0x32: {  	s10 =	sld [smem:$0x3FB9];
	_ =	sdelay $0x3  }
0x33: {  	p0 =	seq.s32 s10, $0x1;
	s10 =	sld [smem:$0x3FBB];
	_ =	sdelay $0x3  }
0x34: {  	[smem:$0x3FBB] =	sst s10  }
0x35: {  	s10 =	sld [smem:$0x3FBA];
	_ =	sdelay $0x3  }
0x36: {  	p1 =	seq.s32 s10, $0x1;
	s10 =	sld [smem:$0x3FBB];
	_ =	sdelay $0x3  }
0x37: {  	[smem:$0x3FBB] =	sst s10  }
0x38: {  	s10 =	sld [smem:$0x3FBC]  }
0x39: {  	_ = 	snop;
	(pc) =	sbr.ind lr, $3  }
0x3a: {  	_ = 	snop  }
0x3b: {  	_ = 	snop  }
0x3c: {  	p2 =	seq.s32 s10, $0x1;
	s10 =	sld [smem:$0x3FBB]  }
0x3d: {  	_ =	shalt  }
0x3e: {  	_ =	shalt  }
0x3f: {  	_ =	shalt  }
0x40: {  	_ =	shalt  }
0x41: {  	_ =	shalt  }
0x42: {  	_ =	shalt  }
0x43: {  	_ =	shalt  }
0x44: {  	_ =	shalt  }
0x45: {  	_ =	shalt  }
0x46: {  	_ =	shalt  }
0x47: {  	_ =	shalt  }
0x48: {  	_ =	shalt  }
0x49: {  	_ =	shalt  }
0x4a: {  	_ =	shalt  }
0x4b: {  	_ =	shalt  }
0x4c: {  	_ =	shalt  }
0x4d: {  	_ =	shalt  }
0x4e: {  	_ =	shalt  }
0x4f: {  	_ =	shalt  }
0x50: {  	_ =	shalt  }
0x51: {  	_ =	shalt  }
0x52: {  	_ =	shalt  }
0x53: {  	_ =	shalt  }
0x54: {  	_ =	shalt  }
0x55: {  	_ =	shalt  }
0x56: {  	_ =	shalt  }
0x57: {  	_ =	shalt  }
0x58: {  	_ =	shalt  }
0x59: {  	_ =	shalt  }
0x5a: {  	_ =	shalt  }
0x5b: {  	_ =	shalt  }
0x5c: {  	_ =	shalt  }
0x5d: {  	_ =	shalt  }
0x5e: {  	_ =	shalt  }
0x5f: {  	_ =	shalt  }
0x60: {  	_ =	shalt  }
0x61: {  	_ =	shalt  }
0x62: {  	_ =	shalt  }
0x63: {  	_ =	shalt  }
0x64: {  	_ =	shalt  }
0x65: {  	_ =	shalt  }
0x66: {  	_ =	shalt  }
0x67: {  	_ =	shalt  }
0x68: {  	_ =	shalt  }
0x69: {  	_ =	shalt  }
0x6a: {  	_ =	shalt  }
0x6b: {  	_ =	shalt  }
0x6c: {  	_ =	shalt  }
0x6d: {  	_ =	shalt  }
0x6e: {  	_ =	shalt  }
0x6f: {  	_ =	shalt  }
0x70: {  	_ =	shalt  }
0x71: {  	_ =	shalt  }
0x72: {  	_ =	shalt  }
0x73: {  	_ =	shalt  }
0x74: {  	_ =	shalt  }
0x75: {  	_ =	shalt  }
0x76: {  	_ =	shalt  }
0x77: {  	_ =	shalt  }
0x78: {  	_ =	shalt  }
0x79: {  	_ =	shalt  }
0x7a: {  	_ =	shalt  }
0x7b: {  	_ =	shalt  }
0x7c: {  	_ =	shalt  }
0x7d: {  	_ =	shalt  }
0x7e: {  	_ =	shalt  }
0x7f: {  	_ =	shalt  }
0x80: {  	_ =	shalt  }
0x81: {  	_ =	shalt  }
0x82: {  	_ =	shalt  }
0x83: {  	_ =	shalt  }
0x84: {  	_ =	shalt  }
0x85: {  	_ =	shalt  }
0x86: {  	_ =	shalt  }
0x87: {  	_ =	shalt  }
.Lfunc_end0:
.L_simem_size_0:
called_computation_lowered:
.L_overlay_start_0:
0x88: {  	s2 =	sld [smem:$0x3FD9]  }
0x89: {  	s3 =	sld [smem:$0x3FFE];
	_ =	sdelay $0x1  }
0x8a: {  	s1 =	srdreg.scid  }
0x8b: {  	s0 =	sand.u32 $0x1, s1  }
0x8c: {  	s18 =	sshll.u32 s0, $0xA;
	s2 =	sadd.s32 s3, s2  }
0x8d: {  	s2 =	sadd.s32 s2, s18  }
0x8e: {  	[smem:$0x3FC7] =	sst s2  }
0x8f: {  	_ = 	snop  }
0x90: {  	s2 =	sld [smem:$0x3FC9]  }
0x91: {  	s19 =	sld [smem:$0x3FD0];
	(tm) =	ssettm $0x1  }
0x92: {  	s4 =	sld [smem:$0x3FFB];
	_ =	sdelay $0x3  }
0x93: {  	_ =	strace s4  }
0x94: {  	s4 =	sld [smem:$0x3FFC];
	_ =	sdelay $0x3  }
0x95: {  	_ =	strace s4  }
0x96: {  	s4 =	sld [smem:$0x3FFD];
	_ =	sdelay $0x3  }
0x97: {  	_ =	strace s4  }
0x98: {  	_ =	strace $0x8FFFFFFF  }
0x99: {  	s20 =	sld [smem:$0x3FDB];
	_ =	sdelay $0x1  }
0x9a: {  	s5 =	simm.s32 $_scs_section_size  }
0x9b: {  	s6 =	simm.s32 $_size__tile_overlayer_lowered;
	s7 =	simm.s32 $_tile_overlayer_lowered  }
0x9c: {  	s23 =	simm.s32 $0x1BFF;
	s22 =	sshll.u32 s7, $0x1;
	s4 =	sadd.s32 s5, s20  }
0x9d: {  	s8 =	simm.s32 $0x0;
	s21 =	sshll.u32 s6, $0x1;
	s6 =	sadd.s32 s22, s4  }
0x9e: {  	[timem:s8], [sflag:s23] =	dma.local [hbm:s6], s21  }
0x9f: {  	_ =	swait.ge [sflag:s23], s21  }
0xa0: {  	s5 =	ssub.s32 $0x0, s21;
	[sflag:s23] =	ssyncset.done $0x0  }
0xa1: {  	[sflag:s23] =	ssyncadd.s32 s5;
	_ =	sdelay $0x1  }
0xa2: {  	s24 =	simm.s32 $0x1B8B  }
0xa3: {  	_ =	swait.ge [sflag:s24], $0x1  }
0xa4: {  	[sflag:s24] =	ssyncset.done $0x0  }
0xa5: {  	s25 =	simm.s32 $0x1B8E;
	[sflag:s24] =	ssyncadd.s32 $0xFFFFFFFF  }
0xa6: {  	s26 =	simm.s32 $execute0_lowered;
	[smem:$0x3FD2] =	sst s25  }
0xa7: {  	s5 =	sshll.u32 s26, $0x1;
	_ =	strace $0x80000046;
	[dreg:$0x1] =	wrdreg $0xFFFFFFFF  }
0xa8: {  	s28 =	simm.s32 $_size_execute0_lowered;
	s4 =	sadd.s32 s4, s5;
	[dreg:$0x0] =	wrdreg $0x0  }
0xa9: {  	s5 =	sshll.u32 s28, $0x1;
	[dreg:$0x2] =	wrdreg s4  }
0xaa: {  	[dreg:$0x3] =	wrdreg s5  }
0xab: {  	[dreg:$0x4] =	wrdreg $0xC0  }
0xac: {  	_ =	task [dreg:s8], $0x5FFFF  }
0xad: {  	[dreg:$0x1] =	wrdreg $0xFFFFFFFF  }
0xae: {  	[dreg:$0x0] =	wrdreg $0x60  }
0xaf: {  	[dreg:$0x2] =	wrdreg s2  }
0xb0: {  	[dreg:$0x3] =	wrdreg s19  }
0xb1: {  	[dreg:$0x4] =	wrdreg $0x9  }
0xb2: {  	_ =	task.clear_ibuf [dreg:s8], $0x5FFFF;
	_ =	strace $0x90000046  }
0xb3: {  	s29 =	simm.s32 $0x9;
	_ =	strace $0x80000048  }
0xb4: {  	_ =	swait.ge [sflag:s29], $0x1  }
0xb5: {  	[sflag:s29] =	ssyncadd.s32 $0xFFFFFFFF  }
0xb6: {  	_ =	strace $0x90000048  }
0xb7: {  	_ =	sfence  }
0xb8: {  	s30 =	sld [smem:$0x0];
	_ =	sdelay $0x2  }
0xb9: {  	s31 =	sshll.u32 s1, $0xD;
	s1 =	sshrl.u32 s1, $0x2  }
0xba: {  	s3 =	sand.u32 $0x4000, s31;
	s1 =	sadd.s32 s1, s30  }
0xbb: {  	s0 =	sor.u32 s3, s0;
	s1 =	sshll.u32 s1, $0x11  }
0xbc: {  	s0 =	sor.u32 s1, s0  }
0xbd: {  	s0 =	sadd.s32 $0x8F2B, s0  }
0xbe: {  	[sflag:s0] =	ssyncadd.remote.s32 $0x1  }
0xbf: {  	_ =	sfence.sel $0xFFFF  }
0xc0: {  	[dreg:$0x0] =	wrdreg $0xFFFFFFFF;
	(pc) =	sbr.abs _section_cstart, $3  }
0xc1: {  	[dreg:$0x1] =	wrdreg $0xFFFFFFFF  }
0xc2: {  	_ =	task.clear_ibuf [dreg:s8], $0x2FFFF;
	_ =	strace $0x9FFFFFFF  }
0xc3: {  	(tm) =	ssettm $0x7FFFFFFF  }
tec
execute0_lowered:
.L_overlay_start_1:
0x0: {  	(tag) =	ssettag $0x1  }
0x1: {  	s1 =	srdreg.scid  }
0x2: {  	s0 =	stileid.u32;
	s6 =	sand.u32 $0x1, s1  }
0x3: {  	s1 =	sor.u32 s6, s0  }
0x4: {  	p1 =	seq.s32 s6, $0x1;
	p0 =	seq.s32 s1, $0x0  }
0x5: {  	p0 =	por !p0, !p1  }
0x6: {  	s5 =	rddreg [dreg:$0x0];
	s1 =	simm.s32 $0x1;
	p0 =	por !p0, !p0  }
0x7: {  	s2 =	rddreg [dreg:$0x1];
	s1 =	simm.s32 @!p0 $0x0  }
0x8: {  	s3 =	ssub.s32 s0, s1;
	s1 =	rddreg [dreg:$0x2]  }
0x9: {  	s7 =	sshrl.u32 s3, $0x3;
	s4 =	sshll.u32 s3, $0x7;
	s3 =	simm.s32 $0x0  }
0xa: {  	s14 =	simm.s32 $0x80;
	s15 =	simm.s32 $0x100;
	[smem:$0x7FF] =	sst s3  }
0xb: {  	s16 =	simm.s32 $0x180;
	_ =	strace $0x80000047;
	[dreg:$0x13] =	wrdreg s14  }
0xc: {  	s17 =	simm.s32 $0x200;
	s18 =	simm.s32 $0x280;
	[dreg:$0x14] =	wrdreg s15  }
0xd: {  	s19 =	simm.s32 $0x300;
	s20 =	simm.s32 $0x380;
	[dreg:$0x15] =	wrdreg s16  }
0xe: {  	s9 =	sshll.u32 s6, $0x4;
	s8 =	sshll.u32 s7, $0xA;
	[dreg:$0x16] =	wrdreg s17  }
0xf: {  	s4 =	sand.u32 $0x380, s4;
	s8 =	sor.u32 s9, s8;
	[dreg:$0x17] =	wrdreg s18  }
0x10: {  	s21 =	simm.s32 $0x400;
	[dreg:$0x18] =	wrdreg s19;
	s8 =	sor.u32 s4, s8  }
0x11: {  	s22 =	sshll.u32 s6, $0x13;
	[dreg:$0x19] =	wrdreg s20;
	s8 =	sshrl.u32 s8, $0x3  }
0x12: {  	s7 =	sshll.u32 s7, $0xE;
	[dreg:$0x1a] =	wrdreg s21;
	s8 =	sadd.s32 s5, s8  }
0x13: {  	s5 =	sadd.s32 s22, s7;
	s22 =	simm.s32 $0x480;
	[dreg:$0x3] =	wrdreg s8  }
0x14: {  	s7 =	sadd.s32 $0x8000, s5;
	[dreg:$0x1b] =	wrdreg s22  }
0x15: {  	s23 =	sadd.s32 $0x10000, s5;
	[dreg:$0x4] =	wrdreg s7  }
0x16: {  	s24 =	sadd.s32 $0x18000, s5;
	[dreg:$0x5] =	wrdreg s23  }
0x17: {  	s25 =	sadd.s32 $0x20000, s5;
	[dreg:$0x6] =	wrdreg s24  }
0x18: {  	s26 =	sadd.s32 $0x28000, s5;
	[dreg:$0x7] =	wrdreg s25  }
0x19: {  	s28 =	sadd.s32 $0x30000, s5;
	[dreg:$0x8] =	wrdreg s26  }
0x1a: {  	s29 =	sadd.s32 $0x38000, s5;
	[dreg:$0x9] =	wrdreg s28  }
0x1b: {  	s30 =	sadd.s32 $0x40000, s5;
	[dreg:$0xa] =	wrdreg s29  }
0x1c: {  	s31 =	sadd.s32 $0x48000, s5;
	[dreg:$0xb] =	wrdreg s30  }
0x1d: {  	s8 =	sadd.s32 $0x50000, s5;
	[dreg:$0xc] =	wrdreg s31  }
0x1e: {  	s9 =	sadd.s32 $0x58000, s5;
	[dreg:$0xd] =	wrdreg s8  }
0x1f: {  	s10 =	sadd.s32 $0x60000, s5;
	[dreg:$0xe] =	wrdreg s9  }
0x20: {  	s11 =	sadd.s32 $0x68000, s5;
	[dreg:$0xf] =	wrdreg s10  }
0x21: {  	s12 =	sadd.s32 $0x70000, s5;
	[dreg:$0x10] =	wrdreg s11  }
0x22: {  	s13 =	sadd.s32 $0x78000, s5;
	[dreg:$0x11] =	wrdreg s12  }
0x23: {  	[dreg:$0x12] =	wrdreg s13;
	s23 =	simm.s32 $0x500  }
0x24: {  	s24 =	simm.s32 $0x580;
	[dreg:$0x1c] =	wrdreg s23  }
0x25: {  	s25 =	simm.s32 $0x600;
	[dreg:$0x1d] =	wrdreg s24  }
0x26: {  	s6 =	ssub.s32 $0x2, s6;
	s26 =	simm.s32 $0x680;
	[dreg:$0x1e] =	wrdreg s25  }
0x27: {  	s28 =	sshrl.u32 s6, $0x1;
	s29 =	simm.s32 $0x700;
	[dreg:$0x1f] =	wrdreg s26  }
0x28: {  	s30 =	simm.s32 $0x780;
	s31 =	simm.s32 $0x800;
	[smem:$0x7FB] =	sst s29  }
0x29: {  	s8 =	ssub.s32 s6, s28;
	s6 =	simm.s32 $0x1;
	[smem:$0x7FC] =	sst s30  }
0x2a: {  	v0 =	vlaneseq.u32;
	v1 =	vimm.s32 $0x0;
	[smem:$0x7FD] =	sst s31;
	s7 =	smax.u32 s8, $0x1;
	s8 =	simm.s32 $0x2  }
.LBB2_1:
0x2b: {  	s9 =	rddreg [dreg:$0x3]  }
0x2c: {  	[tilespmem:s3], [sflag:$0x1] =	stream.linear.gather [hbm4b:s9+s3], $0x10, $0x38;
	[tilespmem:$0x880] =	vst v63  }
0x2d: {  	_ =	swait.ge [sflag:s6], $0x10  }
0x2e: {  	[sflag:s6] =	ssyncset.done $0x0  }
0x2f: {  	[sflag:s6] =	ssyncadd.s32 $0xFFFFFFF0  }
0x30: {  	v2 =	vld [tilespmem:$0x0];
	_ =	sdelay $0x4  }
0x31: {  	vm0 =	vgt.s32 v2, $0x0  }
0x32: {  	v2 =	vnsel vm0, $0x0, v2  }
0x33: {  	(v2sf) =	vpush v2, $0x0  }
0x34: {  	(v2sf) =	vpush v2, $0x1  }
0x35: {  	(v2sf) =	vpush v2, $0x2  }
0x36: {  	(v2sf) =	vpush v2, $0x3  }
0x37: {  	(v2sf) =	vpush v2, $0x4  }
0x38: {  	(v2sf) =	vpush v2, $0x5  }
0x39: {  	(v2sf) =	vpush v2, $0x6  }
0x3a: {  	(v2sf) =	vpush v2, $0x7  }
0x3b: {  	(v2sf) =	vpush v2, $0x8  }
0x3c: {  	(v2sf) =	vpush v2, $0x9  }
0x3d: {  	(v2sf) =	vpush v2, $0xA  }
0x3e: {  	(v2sf) =	vpush v2, $0xB  }
0x3f: {  	(v2sf) =	vpush v2, $0xC  }
0x40: {  	(v2sf) =	vpush v2, $0xD  }
0x41: {  	(v2sf) =	vpush v2, $0xE  }
0x42: {  	s24 =	spop (v2sf);
	(v2sf) =	vpush v2, $0xF  }
0x43: {  	s23 =	spop (v2sf);
	s26 =	sand.u32 $0xF, s24  }
0x44: {  	s22 =	spop (v2sf);
	v2 =	vmov s26;
	s28 =	sand.u32 $0xF, s23  }
0x45: {  	s21 =	spop (v2sf);
	vm12 =	veq.s32 v2, v0;
	v2 =	vmov s28;
	s29 =	sand.u32 $0xF, s22  }
0x46: {  	s20 =	spop (v2sf);
	v3 =	vsel vm12, $0x3F800000, v1;
	vm13 =	veq.s32 v2, v0;
	v2 =	vmov s29;
	s30 =	sand.u32 $0xF, s21  }
0x47: {  	s19 =	spop (v2sf);
	[tilespmem:$0x80] =	vst v3;
	v3 =	vsel vm13, $0x3F800000, v1;
	vm14 =	veq.s32 v2, v0;
	v2 =	vmov s30;
	s31 =	sand.u32 $0xF, s20  }
0x48: {  	s18 =	spop (v2sf);
	[tilespmem:$0x100] =	vst v3;
	v3 =	vsel vm14, $0x3F800000, v1;
	vm15 =	veq.s32 v2, v0;
	v2 =	vmov s31;
	s10 =	sand.u32 $0xF, s19  }
0x49: {  	s17 =	spop (v2sf);
	[tilespmem:$0x180] =	vst v3;
	v3 =	vsel vm15, $0x3F800000, v1;
	vm4 =	veq.s32 v2, v0;
	v2 =	vmov s10;
	s11 =	sand.u32 $0xF, s18  }
0x4a: {  	s16 =	spop (v2sf);
	[tilespmem:$0x200] =	vst v3;
	v3 =	vsel vm4, $0x3F800000, v1;
	vm5 =	veq.s32 v2, v0;
	v2 =	vmov s11;
	s12 =	sand.u32 $0xF, s17  }
0x4b: {  	s15 =	spop (v2sf);
	[tilespmem:$0x280] =	vst v3;
	v3 =	vsel vm5, $0x3F800000, v1;
	vm6 =	veq.s32 v2, v0;
	v2 =	vmov s12;
	s13 =	sand.u32 $0xF, s16  }
0x4c: {  	s14 =	spop (v2sf);
	[tilespmem:$0x300] =	vst v3;
	v3 =	vsel vm6, $0x3F800000, v1;
	vm7 =	veq.s32 v2, v0;
	v2 =	vmov s13;
	s25 =	sand.u32 $0xF, s15  }
0x4d: {  	s13 =	spop (v2sf);
	[tilespmem:$0x380] =	vst v3;
	v3 =	vsel vm7, $0x3F800000, v1;
	vm8 =	veq.s32 v2, v0;
	v2 =	vmov s25;
	s26 =	sand.u32 $0xF, s14  }
0x4e: {  	s12 =	spop (v2sf);
	[tilespmem:$0x400] =	vst v3;
	v3 =	vsel vm8, $0x3F800000, v1;
	vm9 =	veq.s32 v2, v0;
	v2 =	vmov s26;
	s28 =	sand.u32 $0xF, s13  }
0x4f: {  	s11 =	spop (v2sf);
	[tilespmem:$0x480] =	vst v3;
	v3 =	vsel vm9, $0x3F800000, v1;
	vm10 =	veq.s32 v2, v0;
	v2 =	vmov s28;
	s10 =	sand.u32 $0xF, s12  }
0x50: {  	s9 =	spop (v2sf);
	[tilespmem:$0x500] =	vst v3;
	v3 =	vsel vm10, $0x3F800000, v1;
	vm11 =	veq.s32 v2, v0;
	v2 =	vmov s10;
	s29 =	sand.u32 $0xF, s11  }
0x51: {  	s26 =	sand.u32 $0x70, s24;
	[tilespmem:$0x580] =	vst v3;
	v3 =	vsel vm11, $0x3F800000, v1;
	vm12 =	veq.s32 v2, v0;
	v2 =	vmov s29;
	s25 =	sand.u32 $0xF, s9;
	s10 =	spop (v2sf)  }
0x52: {  	s24 =	sshll.u32 s24, $0x3;
	s26 =	sor.u32 s26, s5;
	[tilespmem:$0x600] =	vst v3;
	v3 =	vsel vm12, $0x3F800000, v1;
	vm13 =	veq.s32 v2, v0;
	v2 =	vmov s25;
	s30 =	sand.u32 $0xF, s10  }
0x53: {  	s24 =	sand.u32 $0xFFFFFC00, s24;
	s31 =	sor.u32 s4, s26;
	[tilespmem:$0x680] =	vst v3;
	v3 =	vsel vm13, $0x3F800000, v1;
	vm14 =	veq.s32 v2, v0;
	v2 =	vmov s30  }
0x54: {  	s24 =	sadd.s32 s24, s31;
	[tilespmem:$0x700] =	vst v3;
	v3 =	vsel vm14, $0x3F800000, v1;
	vm15 =	veq.s32 v2, v0  }
0x55: {  	s28 =	rddreg [dreg:$0x4];
	s24 =	sshrl.u32 s24, $0x3;
	[tilespmem:$0x780] =	vst v3;
	v2 =	vsel vm15, $0x3F800000, v1  }
0x56: {  	s26 =	rddreg [dreg:$0x13];
	s29 =	sand.u32 $0x70, s23;
	s24 =	sadd.s32 s2, s24;
	[tilespmem:$0x800] =	vst v2  }
0x57: {  	[hbm4b:s24+s3] =	stream.linear.scatter [tilespmem:s26], [sflag:$0x2], $0x10, $0x38;
	[tilespmem:$0x880] =	vst v63  }
0x58: {  	s23 =	sshll.u32 s23, $0x3;
	s24 =	sor.u32 s29, s28  }
0x59: {  	s23 =	sand.u32 $0xFFFFFC00, s23;
	s24 =	sor.u32 s4, s24  }
0x5a: {  	s23 =	sadd.s32 s23, s24  }
0x5b: {  	s31 =	rddreg [dreg:$0x5];
	s23 =	sshrl.u32 s23, $0x3  }
0x5c: {  	s30 =	rddreg [dreg:$0x14];
	s24 =	sand.u32 $0x70, s22;
	s23 =	sadd.s32 s2, s23  }
0x5d: {  	[hbm4b:s23+s3] =	stream.linear.scatter [tilespmem:s30], [sflag:$0x2], $0x10, $0x38;
	[tilespmem:$0x880] =	vst v63  }
0x5e: {  	s22 =	sshll.u32 s22, $0x3;
	s23 =	sor.u32 s24, s31  }
0x5f: {  	s22 =	sand.u32 $0xFFFFFC00, s22;
	s23 =	sor.u32 s4, s23  }
0x60: {  	s22 =	sadd.s32 s22, s23  }
0x61: {  	s26 =	rddreg [dreg:$0x15];
	s22 =	sshrl.u32 s22, $0x3  }
0x62: {  	s28 =	rddreg [dreg:$0x6];
	s29 =	sand.u32 $0x70, s21;
	s22 =	sadd.s32 s2, s22  }
0x63: {  	[hbm4b:s22+s3] =	stream.linear.scatter [tilespmem:s26], [sflag:$0x2], $0x10, $0x38;
	[tilespmem:$0x880] =	vst v63  }
0x64: {  	s21 =	sshll.u32 s21, $0x3;
	s22 =	sor.u32 s29, s28  }
0x65: {  	s21 =	sand.u32 $0xFFFFFC00, s21;
	s22 =	sor.u32 s4, s22  }
0x66: {  	s21 =	sadd.s32 s21, s22  }
0x67: {  	s30 =	rddreg [dreg:$0x16];
	s21 =	sshrl.u32 s21, $0x3  }
0x68: {  	s31 =	rddreg [dreg:$0x7];
	s22 =	sand.u32 $0x70, s20;
	s21 =	sadd.s32 s2, s21  }
0x69: {  	[hbm4b:s21+s3] =	stream.linear.scatter [tilespmem:s30], [sflag:$0x2], $0x10, $0x38;
	[tilespmem:$0x880] =	vst v63  }
0x6a: {  	s20 =	sshll.u32 s20, $0x3;
	s21 =	sor.u32 s22, s31  }
0x6b: {  	s20 =	sand.u32 $0xFFFFFC00, s20;
	s21 =	sor.u32 s4, s21  }
0x6c: {  	s20 =	sadd.s32 s20, s21  }
0x6d: {  	s24 =	rddreg [dreg:$0x8];
	s20 =	sshrl.u32 s20, $0x3  }
0x6e: {  	s25 =	sand.u32 $0x70, s19;
	s23 =	rddreg [dreg:$0x17];
	s20 =	sadd.s32 s2, s20  }
0x6f: {  	[hbm4b:s20+s3] =	stream.linear.scatter [tilespmem:s23], [sflag:$0x2], $0x10, $0x38;
	[tilespmem:$0x880] =	vst v63  }
0x70: {  	s19 =	sshll.u32 s19, $0x3;
	s20 =	sor.u32 s25, s24  }
0x71: {  	s19 =	sand.u32 $0xFFFFFC00, s19;
	s20 =	sor.u32 s4, s20  }
0x72: {  	s19 =	sadd.s32 s19, s20  }
0x73: {  	s26 =	rddreg [dreg:$0x18];
	s19 =	sshrl.u32 s19, $0x3  }
0x74: {  	s28 =	rddreg [dreg:$0x9];
	s29 =	sand.u32 $0x70, s18;
	s19 =	sadd.s32 s2, s19  }
0x75: {  	[hbm4b:s19+s3] =	stream.linear.scatter [tilespmem:s26], [sflag:$0x2], $0x10, $0x38;
	[tilespmem:$0x880] =	vst v63  }
0x76: {  	s18 =	sshll.u32 s18, $0x3;
	s19 =	sor.u32 s29, s28  }
0x77: {  	s18 =	sand.u32 $0xFFFFFC00, s18;
	s19 =	sor.u32 s4, s19  }
0x78: {  	s18 =	sadd.s32 s18, s19  }
0x79: {  	s30 =	rddreg [dreg:$0x19];
	s18 =	sshrl.u32 s18, $0x3  }
0x7a: {  	s31 =	rddreg [dreg:$0xa];
	s19 =	sand.u32 $0x70, s17;
	s18 =	sadd.s32 s2, s18  }
0x7b: {  	[hbm4b:s18+s3] =	stream.linear.scatter [tilespmem:s30], [sflag:$0x2], $0x10, $0x38;
	[tilespmem:$0x880] =	vst v63  }
0x7c: {  	s17 =	sshll.u32 s17, $0x3;
	s18 =	sor.u32 s19, s31  }
0x7d: {  	s17 =	sand.u32 $0xFFFFFC00, s17;
	s18 =	sor.u32 s4, s18  }
0x7e: {  	s17 =	sadd.s32 s17, s18  }
0x7f: {  	s21 =	rddreg [dreg:$0xb];
	s17 =	sshrl.u32 s17, $0x3  }
0x80: {  	s22 =	sand.u32 $0x70, s16;
	s20 =	rddreg [dreg:$0x1a];
	s17 =	sadd.s32 s2, s17  }
0x81: {  	[hbm4b:s17+s3] =	stream.linear.scatter [tilespmem:s20], [sflag:$0x2], $0x10, $0x38;
	[tilespmem:$0x880] =	vst v63  }
0x82: {  	s16 =	sshll.u32 s16, $0x3;
	s17 =	sor.u32 s22, s21  }
0x83: {  	s16 =	sand.u32 $0xFFFFFC00, s16;
	s17 =	sor.u32 s4, s17  }
0x84: {  	s16 =	sadd.s32 s16, s17  }
0x85: {  	s23 =	rddreg [dreg:$0x1b];
	s16 =	sshrl.u32 s16, $0x3  }
0x86: {  	s24 =	rddreg [dreg:$0xc];
	s25 =	sand.u32 $0x70, s15;
	s16 =	sadd.s32 s2, s16  }
0x87: {  	[hbm4b:s16+s3] =	stream.linear.scatter [tilespmem:s23], [sflag:$0x2], $0x10, $0x38;
	[tilespmem:$0x880] =	vst v63  }
0x88: {  	s15 =	sshll.u32 s15, $0x3;
	s16 =	sor.u32 s25, s24  }
0x89: {  	s15 =	sand.u32 $0xFFFFFC00, s15;
	s16 =	sor.u32 s4, s16  }
0x8a: {  	s15 =	sadd.s32 s15, s16  }
0x8b: {  	s26 =	rddreg [dreg:$0x1c];
	s15 =	sshrl.u32 s15, $0x3  }
0x8c: {  	s28 =	rddreg [dreg:$0xd];
	s29 =	sand.u32 $0x70, s14;
	s15 =	sadd.s32 s2, s15  }
0x8d: {  	[hbm4b:s15+s3] =	stream.linear.scatter [tilespmem:s26], [sflag:$0x2], $0x10, $0x38;
	[tilespmem:$0x880] =	vst v63  }
0x8e: {  	s14 =	sshll.u32 s14, $0x3;
	s15 =	sor.u32 s29, s28  }
0x8f: {  	s14 =	sand.u32 $0xFFFFFC00, s14;
	s15 =	sor.u32 s4, s15  }
0x90: {  	s14 =	sadd.s32 s14, s15  }
0x91: {  	s30 =	rddreg [dreg:$0x1d];
	s14 =	sshrl.u32 s14, $0x3  }
0x92: {  	s31 =	rddreg [dreg:$0xe];
	s17 =	sand.u32 $0x70, s13;
	s14 =	sadd.s32 s2, s14  }
0x93: {  	[hbm4b:s14+s3] =	stream.linear.scatter [tilespmem:s30], [sflag:$0x2], $0x10, $0x38;
	[tilespmem:$0x880] =	vst v63  }
0x94: {  	s13 =	sshll.u32 s13, $0x3;
	s14 =	sor.u32 s17, s31  }
0x95: {  	s13 =	sand.u32 $0xFFFFFC00, s13;
	s14 =	sor.u32 s4, s14  }
0x96: {  	s13 =	sadd.s32 s13, s14  }
0x97: {  	s19 =	rddreg [dreg:$0xf];
	s13 =	sshrl.u32 s13, $0x3  }
0x98: {  	s18 =	rddreg [dreg:$0x1e];
	s20 =	sand.u32 $0x70, s12;
	s13 =	sadd.s32 s2, s13  }
0x99: {  	[hbm4b:s13+s3] =	stream.linear.scatter [tilespmem:s18], [sflag:$0x2], $0x10, $0x38;
	[tilespmem:$0x880] =	vst v63  }
0x9a: {  	s12 =	sshll.u32 s12, $0x3;
	s13 =	sor.u32 s20, s19  }
0x9b: {  	s12 =	sand.u32 $0xFFFFFC00, s12;
	s13 =	sor.u32 s4, s13  }
0x9c: {  	s12 =	sadd.s32 s12, s13  }
0x9d: {  	s21 =	rddreg [dreg:$0x1f];
	s12 =	sshrl.u32 s12, $0x3  }
0x9e: {  	s22 =	rddreg [dreg:$0x10];
	s23 =	sand.u32 $0x70, s11;
	s12 =	sadd.s32 s2, s12  }
0x9f: {  	[hbm4b:s12+s3] =	stream.linear.scatter [tilespmem:s21], [sflag:$0x2], $0x10, $0x38;
	[tilespmem:$0x880] =	vst v63  }
0xa0: {  	s11 =	sshll.u32 s11, $0x3;
	s12 =	sor.u32 s23, s22  }
0xa1: {  	s11 =	sand.u32 $0xFFFFFC00, s11;
	s12 =	sor.u32 s4, s12  }
0xa2: {  	s24 =	sld [smem:$0x7FB];
	s11 =	sadd.s32 s11, s12  }
0xa3: {  	s11 =	sshrl.u32 s11, $0x3  }
0xa4: {  	s25 =	rddreg [dreg:$0x11];
	s26 =	sand.u32 $0x70, s9;
	s11 =	sadd.s32 s2, s11  }
0xa5: {  	[hbm4b:s11+s3] =	stream.linear.scatter [tilespmem:s24], [sflag:$0x2], $0x10, $0x38;
	[tilespmem:$0x880] =	vst v63  }
0xa6: {  	s9 =	sshll.u32 s9, $0x3;
	s11 =	sor.u32 s26, s25  }
0xa7: {  	s9 =	sand.u32 $0xFFFFFC00, s9;
	s11 =	sor.u32 s4, s11  }
0xa8: {  	s28 =	sld [smem:$0x7FC];
	s9 =	sadd.s32 s9, s11  }
0xa9: {  	s9 =	sshrl.u32 s9, $0x3  }
0xaa: {  	s29 =	rddreg [dreg:$0x12];
	s30 =	sand.u32 $0x70, s10;
	s9 =	sadd.s32 s2, s9  }
0xab: {  	[hbm4b:s9+s3] =	stream.linear.scatter [tilespmem:s28], [sflag:$0x2], $0x10, $0x38;
	[tilespmem:$0x880] =	vst v63  }
0xac: {  	s10 =	sshll.u32 s10, $0x3;
	s9 =	sor.u32 s30, s29  }
0xad: {  	s10 =	sand.u32 $0xFFFFFC00, s10;
	s9 =	sor.u32 s4, s9  }
0xae: {  	s31 =	sld [smem:$0x7FD];
	s9 =	sadd.s32 s10, s9  }
0xaf: {  	s9 =	sshrl.u32 s9, $0x3  }
0xb0: {  	s9 =	sadd.s32 s2, s9  }
0xb1: {  	[hbm4b:s9+s3] =	stream.linear.scatter [tilespmem:s31], [sflag:$0x2], $0x10, $0x38;
	[tilespmem:$0x880] =	vst v63  }
0xb2: {  	_ =	swait.ge [sflag:s8], $0x10  }
0xb3: {  	[sflag:s8] =	ssyncset.done $0x0  }
0xb4: {  	[sflag:s8] =	ssyncadd.s32 $0xFFFFFFF0  }
0xb5: {  	_ =	swait.ge [sflag:s8], $0x10  }
0xb6: {  	[sflag:s8] =	ssyncset.done $0x0  }
0xb7: {  	[sflag:s8] =	ssyncadd.s32 $0xFFFFFFF0  }
0xb8: {  	_ =	swait.ge [sflag:s8], $0x10  }
0xb9: {  	[sflag:s8] =	ssyncset.done $0x0  }
0xba: {  	[sflag:s8] =	ssyncadd.s32 $0xFFFFFFF0  }
0xbb: {  	_ =	swait.ge [sflag:s8], $0x10  }
0xbc: {  	[sflag:s8] =	ssyncset.done $0x0  }
0xbd: {  	[sflag:s8] =	ssyncadd.s32 $0xFFFFFFF0  }
0xbe: {  	_ =	swait.ge [sflag:s8], $0x10  }
0xbf: {  	[sflag:s8] =	ssyncset.done $0x0  }
0xc0: {  	[sflag:s8] =	ssyncadd.s32 $0xFFFFFFF0  }
0xc1: {  	_ =	swait.ge [sflag:s8], $0x10  }
0xc2: {  	[sflag:s8] =	ssyncset.done $0x0  }
0xc3: {  	[sflag:s8] =	ssyncadd.s32 $0xFFFFFFF0  }
0xc4: {  	_ =	swait.ge [sflag:s8], $0x10  }
0xc5: {  	[sflag:s8] =	ssyncset.done $0x0  }
0xc6: {  	[sflag:s8] =	ssyncadd.s32 $0xFFFFFFF0  }
0xc7: {  	_ =	swait.ge [sflag:s8], $0x10  }
0xc8: {  	[sflag:s8] =	ssyncset.done $0x0  }
0xc9: {  	[sflag:s8] =	ssyncadd.s32 $0xFFFFFFF0  }
0xca: {  	_ =	swait.ge [sflag:s8], $0x10  }
0xcb: {  	[sflag:s8] =	ssyncset.done $0x0  }
0xcc: {  	[sflag:s8] =	ssyncadd.s32 $0xFFFFFFF0  }
0xcd: {  	_ =	swait.ge [sflag:s8], $0x10  }
0xce: {  	[sflag:s8] =	ssyncset.done $0x0  }
0xcf: {  	[sflag:s8] =	ssyncadd.s32 $0xFFFFFFF0  }
0xd0: {  	_ =	swait.ge [sflag:s8], $0x10  }
0xd1: {  	[sflag:s8] =	ssyncset.done $0x0  }
0xd2: {  	[sflag:s8] =	ssyncadd.s32 $0xFFFFFFF0  }
0xd3: {  	_ =	swait.ge [sflag:s8], $0x10  }
0xd4: {  	[sflag:s8] =	ssyncset.done $0x0  }
0xd5: {  	[sflag:s8] =	ssyncadd.s32 $0xFFFFFFF0  }
0xd6: {  	_ =	swait.ge [sflag:s8], $0x10  }
0xd7: {  	[sflag:s8] =	ssyncset.done $0x0  }
0xd8: {  	[sflag:s8] =	ssyncadd.s32 $0xFFFFFFF0  }
0xd9: {  	_ =	swait.ge [sflag:s8], $0x10  }
0xda: {  	[sflag:s8] =	ssyncset.done $0x0  }
0xdb: {  	[sflag:s8] =	ssyncadd.s32 $0xFFFFFFF0  }
0xdc: {  	p0 =	sne.s32 s7, $0x1;
	_ =	swait.ge [sflag:s8], $0x10  }
.Ltmp0:
0xdd: {  	[sflag:s8] =	ssyncset.done $0x0;
	(pc) =	sbr.rel @p0 .LBB2_1-.Ltmp0, $4  }
0xde: {  	[sflag:s8] =	ssyncadd.s32 $0xFFFFFFF0  }
0xdf: {  	_ =	swait.ge [sflag:s8], $0x10  }
0xe0: {  	[sflag:s8] =	ssyncset.done $0x0  }
0xe1: {  	s7 =	sadd.s32 $0xFFFFFFFF, s7;
	[sflag:s8] =	ssyncadd.s32 $0xFFFFFFF0  }
0xe2: {  	_ =	sfence.sel $0x180000  }
0xe3: {  	[bflag:$0x0] =	sbarrier.arrive $0xFFFF  }
0xe4: {  	p0 =	sne.s32 s0, $0x0;
	_ =	strace $0x90000047  }
0xe5: {  	s0 =	sadd.s32 @!p0 $0x100000, s1;
	[bflag:$0x2] =	sbarrier.arrive $0xFFFF  }
0xe6: {  	[sflag:s0] =	ssyncadd.tile.s32 @!p0 $0x1;
	_ =	shalt  }
.Lfunc_end2:
_tile_overlayer_lowered:
.L_overlay_start_2:
0xe7: {  	(tag) =	ssettag $0x2  }
0xe8: {  	s0 =	rddreg [dreg:$0x0];
	s2 =	stileid.u32  }
0xe9: {  	s1 =	rddreg [dreg:$0x1];
	p0 =	sne.s32 s2, $0x0  }
0xea: {  	s3 =	rddreg [dreg:$0x2];
	[bflag:$0x3] =	sbarrier.arrive $0xFFFF;
	s2 =	simm.s32 @!p0 $0x1C03  }
0xeb: {  	[timem:s3], [sflag:s2] =	dma.local @!p0 [hbm:s0], s1  }
0xec: {  	s0 =	simm.s32 @!p0 $0x3  }
0xed: {  	_ =	swait.ge @!p0 [sflag:s0], s1  }
0xee: {  	s1 =	ssub.s32 @!p0 $0x0, s1;
	[sflag:s0] =	ssyncset.done @!p0 $0x0  }
0xef: {  	[sflag:s0] =	ssyncadd.s32 @!p0 s1  }
0xf0: {  	[bflag:$0x3] =	sbarrier.arrive $0xFFFF  }
0xf1: {  	_ =	shalt  }

</sc_bundles>
